<compile_context>
chip_gen: v7x
topology: tpu7x:2x2x1
jax: 0.10.2.dev20260603
libtpu: 0.0.44.dev20260713+nightly
codegen_flags: <defaults>
</compile_context>

<pallas_src>
import functools

import jax
import jax.numpy as jnp
from jax import lax
from jax.experimental import pallas as pl
from jax.experimental.pallas import tpu as pltpu
from jax.experimental.pallas import tpu_sc as plsc

N = 10000
E = 320000
D = 128

NC = 2
NS = 16
NW = NC * NS

CHUNK = 40
EDGES_PER_TILE = E // NW
NUM_CHUNKS = EDGES_PER_TILE // CHUNK
RSLOTS = 8
ISLOTS = 12
GLEAD = 4
ILEAD = 8
NPAD = 10240
ROWS_PER_TILE = NPAD // NS
ZREPS = ROWS_PER_TILE // CHUNK


def _sc_agg_body(src_hbm, dst_hbm, x_hbm, out0_hbm, out1_hbm,
                 src_i, dst_i, rows_v, agg_sh, gsem, ssem, isem, zsem):
    zbuf = rows_v.at[pl.ds((RSLOTS - 1) * CHUNK, CHUNK)]
    cid = lax.axis_index("c")
    sid = lax.axis_index("s")
    wid = sid * NC + cid

    ebase = wid * EDGES_PER_TILE

    def fire_idx(j):
        s = j % ISLOTS
        off = ebase + j * CHUNK
        pltpu.async_copy(src_hbm.at[pl.ds(off, CHUNK)], src_i.at[s], isem.at[s])
        pltpu.async_copy(dst_hbm.at[pl.ds(off, CHUNK)], dst_i.at[s], isem.at[s])

    def wait_idx(j):
        s = j % ISLOTS
        off = ebase + j * CHUNK
        pltpu.make_async_copy(src_hbm.at[pl.ds(off, CHUNK)], src_i.at[s],
                              isem.at[s]).wait()
        pltpu.make_async_copy(dst_hbm.at[pl.ds(off, CHUNK)], dst_i.at[s],
                              isem.at[s]).wait()

    def rslot(j):
        return rows_v.at[pl.ds((j % RSLOTS) * CHUNK, CHUNK)]

    def fire_gather(j):
        pltpu.async_copy(x_hbm.at[src_i.at[j % ISLOTS]], rslot(j),
                         gsem.at[j % RSLOTS])

    def wait_gather(j):
        pltpu.make_async_copy(x_hbm.at[src_i.at[j % ISLOTS]],
                              rslot(j), gsem.at[j % RSLOTS]).wait()

    def fire_scatter(j):
        pltpu.async_copy(rslot(j), agg_sh.at[dst_i.at[j % ISLOTS]],
                         ssem.at[j % RSLOTS], add=True)

    def wait_scatter(j):
        pltpu.make_async_copy(rslot(j),
                              agg_sh.at[dst_i.at[j % ISLOTS]],
                              ssem.at[j % RSLOTS]).wait()

    def zstore(i, _):
        r = i // 8
        c = (i % 8) * 16
        zbuf[r, pl.ds(c, 16)] = jnp.zeros((16,), jnp.float32)
        return 0
    lax.fori_loop(0, CHUNK * 8, zstore, 0)

    row0 = sid * ROWS_PER_TILE
    for j in range(ILEAD):
        fire_idx(j)
    for w in range(ZREPS // 4):
        for k in range(w * 4, w * 4 + 4):
            pltpu.async_copy(zbuf, agg_sh.at[pl.ds(row0 + k * CHUNK, CHUNK)],
                             zsem)
        for k in range(w * 4, w * 4 + 4):
            pltpu.make_async_copy(zbuf,
                                  agg_sh.at[pl.ds(row0 + k * CHUNK, CHUNK)],
                                  zsem).wait()
    for j in range(GLEAD):
        wait_idx(j)
        fire_gather(j)

    plsc.subcore_barrier()

    def body(j, _):
        wait_gather(j)
        fire_scatter(j)

        @pl.when(j >= GLEAD)
        def _w():
            wait_scatter(j - GLEAD)

        @pl.when(j + ILEAD < NUM_CHUNKS)
        def _fi():
            fire_idx(j + ILEAD)

        @pl.when(j + GLEAD < NUM_CHUNKS)
        def _fg():
            wait_idx(j + GLEAD)
            fire_gather(j + GLEAD)
        return 0
    lax.fori_loop(0, NUM_CHUNKS, body, 0)

    for d in range(GLEAD):
        wait_scatter(NUM_CHUNKS - GLEAD + d)

    plsc.subcore_barrier()

    half = RSLOTS * CHUNK // 2 * 2
    for h in range(ROWS_PER_TILE // half):
        rows = pl.ds(row0 + h * half, half)
        stage = rows_v.at[pl.ds(0, half)]
        pltpu.sync_copy(agg_sh.at[rows], stage)

        @pl.when(cid == 0)
        def _c0():
            pltpu.sync_copy(stage, out0_hbm.at[rows])

        @pl.when(cid == 1)
        def _c1():
            pltpu.sync_copy(stage, out1_hbm.at[rows])


_sc_agg = functools.partial(
    pl.kernel,
    out_type=(jax.ShapeDtypeStruct((NPAD, D), jnp.float32),
              jax.ShapeDtypeStruct((NPAD, D), jnp.float32)),
    mesh=plsc.VectorSubcoreMesh(core_axis_name="c", subcore_axis_name="s"),
    scratch_types=[
        pltpu.VMEM((ISLOTS, CHUNK), jnp.int32),
        pltpu.VMEM((ISLOTS, CHUNK), jnp.int32),
        pltpu.VMEM((RSLOTS * CHUNK, D), jnp.float32),
        pltpu.VMEM_SHARED((NPAD, D), jnp.float32),
        pltpu.SemaphoreType.DMA((RSLOTS,)),
        pltpu.SemaphoreType.DMA((RSLOTS,)),
        pltpu.SemaphoreType.DMA((ISLOTS,)),
        pltpu.SemaphoreType.DMA,
    ],
)(_sc_agg_body)


ROWS_BLK = 2000


def _mlp_body(x_ref, a0_ref, a1_ref, w1_ref, b1_ref, w2_ref, b2_ref, o_ref):
    h = x_ref[...] + a0_ref[...] + a1_ref[...]
    h = lax.dot_general(h, w1_ref[...], (((1,), (1,)), ((), ())),
                        preferred_element_type=jnp.float32) + b1_ref[...]
    h = jnp.maximum(h, 0.0)
    h = lax.dot_general(h, w2_ref[...], (((1,), (1,)), ((), ())),
                        preferred_element_type=jnp.float32) + b2_ref[...]
    o_ref[...] = jnp.maximum(h, 0.0)


def _mlp(x, a0, a1, W1, b1, W2, b2):
    grid = (N // ROWS_BLK,)
    row_spec = pl.BlockSpec((ROWS_BLK, D), lambda i: (i, 0))
    full_spec = pl.BlockSpec((D, D), lambda i: (0, 0))
    bias_spec = pl.BlockSpec((D,), lambda i: (0,))
    return pl.pallas_call(
        _mlp_body,
        grid=grid,
        in_specs=[row_spec, row_spec, row_spec,
                  full_spec, bias_spec, full_spec, bias_spec],
        out_specs=row_spec,
        out_shape=jax.ShapeDtypeStruct((N, D), jnp.float32),
    )(x, a0, a1, W1, b1, W2, b2)


def kernel(x, edge_index, W1, b1, W2, b2):
    src = edge_index[0]
    dst = edge_index[1]
    a0, a1 = _sc_agg(src, dst, x)
    return _mlp(x, a0, a1, W1, b1, W2, b2)

# --- scband reference (transcript-rebuilt; emitter-appended) ---
"""Pipeline reference for scband-ginconv-22342419874451 (READ-ONLY COPY).

The authoritative reference and input builder live on the scoring server;
editing this copy changes nothing except your own understanding.
"""

import jax, jax.numpy as jnp
import numpy as np

N = 10000
E = 320000
D = 128


def setup_inputs(seed: int = 0) -> dict:
    key = jax.random.key(seed)
    k1, k2, k3, k4, k5, k6 = jax.random.split(key, 6)
    x = jax.random.normal(k1, (N, D), dtype=jnp.float32)
    edge_index = jax.random.randint(k2, (2, E), 0, N, dtype=jnp.int32)
    scale = 1.0 / np.sqrt(D)
    W1 = jax.random.normal(k3, (D, D), dtype=jnp.float32) * scale
    b1 = jnp.zeros((D,), dtype=jnp.float32)
    W2 = jax.random.normal(k4, (D, D), dtype=jnp.float32) * scale
    b2 = jnp.zeros((D,), dtype=jnp.float32)
    return {"x": x, "edge_index": edge_index, "W1": W1, "b1": b1, "W2": W2, "b2": b2}


def reference(x, edge_index, W1, b1, W2, b2):
    # GINConv: h = (1 + eps) * x + sum_{j in N(i)} x_j, eps = 0 (default, not trained)
    src = edge_index[0]
    dst = edge_index[1]
    messages = jnp.take(x, src, axis=0)          # gather source node features (SparseCore gather)
    agg = jax.ops.segment_sum(messages, dst, num_segments=N)  # scatter-add to dst nodes
    h = x + agg
    # MLP: Linear -> ReLU -> Linear
    h = h @ W1.T + b1
    h = jax.nn.relu(h)
    h = h @ W2.T + b2
    # dropout(p=0.0) is identity; final activation
    out = jax.nn.relu(h)
    return out

if __name__ == "__main__":
    import jax
    _d = setup_inputs()
    print(jax.jit(kernel)(*tuple(_d.values())))

</pallas_src>

<mosaic_0001>
#map = affine_map<(d0, d1) -> (0)>
#map1 = affine_map<(d0, d1) -> (0, 0)>
module attributes {stable_mosaic.version = 14 : i64} {
  func.func @_sc_agg_body(%arg0: i32, %arg1: i32, %arg2: memref<320000xi32, #tpu.memory_space<hbm>>, %arg3: memref<320000xi32, #tpu.memory_space<hbm>>, %arg4: memref<10000x128xf32, #tpu.memory_space<hbm>>, %arg5: memref<10240x128xf32, #tpu.memory_space<hbm>>, %arg6: memref<10240x128xf32, #tpu.memory_space<hbm>>, %arg7: memref<12x40xi32, #tpu.memory_space<vmem>>, %arg8: memref<12x40xi32, #tpu.memory_space<vmem>>, %arg9: memref<320x128xf32, #tpu.memory_space<vmem>>, %arg10: memref<10240x128xf32, #tpu.memory_space<vmem_shared>>, %arg11: memref<8x!tpu.dma_semaphore, #tpu.memory_space<semaphore_mem>>, %arg12: memref<8x!tpu.dma_semaphore, #tpu.memory_space<semaphore_mem>>, %arg13: memref<12x!tpu.dma_semaphore, #tpu.memory_space<semaphore_mem>>, %arg14: memref<!tpu.dma_semaphore, #tpu.memory_space<semaphore_mem>>) attributes {dimension_semantics = [#tpu.dimension_semantics<core_parallel>, #tpu.dimension_semantics<subcore_parallel>], iteration_bounds = array<i64: 2, 16>, scalar_prefetch = 0 : i64, scratch_operands = 8 : i64, tpu.core_type = #tpu.core_type<sc_vector_subcore>, window_params = [{transform_indices = #map}, {transform_indices = #map}, {transform_indices = #map1}, {transform_indices = #map1}, {transform_indices = #map1}]} {
    %mul3A = arith.constant 2 : i32
    %mul3A_0 = arith.muli %arg1, %mul3A : i32
    %add3A = arith.addi %mul3A_0, %arg0 : i32
    %mul3A_1 = arith.constant 10000 : i32
    %mul3A_2 = arith.muli %add3A, %mul3A_1 : i32
    %scan3A = arith.constant 0 : i32
    %scan3A_3 = arith.constant 0 : i32
    %scan3A_4 = arith.constant 320 : i32
    %scan3A_5 = arith.addi %scan3A_3, %scan3A_4 : i32
    %scan3A_6 = arith.constant 1 : i32
    %scan3A_7 = scf.for %scan3A_838 = %scan3A_3 to %scan3A_5 step %scan3A_6 iter_args(%scan3A_839 = %scan3A) -> (i32)  : i32 {
      %jit3A = arith.constant 8 : i32
      %div3A = arith.divsi %scan3A_838, %jit3A : i32
      %sign3A = arith.constant 0 : i32
      %sign3A_840 = arith.cmpi sgt, %scan3A_838, %sign3A : i32
      %sign3A_841 = arith.extui %sign3A_840 : i1 to i32
      %sign3A_842 = arith.constant 0 : i32
      %sign3A_843 = arith.cmpi slt, %scan3A_838, %sign3A_842 : i32
      %sign3A_844 = arith.extui %sign3A_843 : i1 to i32
      %sign3A_845 = arith.subi %sign3A_841, %sign3A_844 : i32
      %sign3A_846 = arith.constant 0 : i32
      %sign3A_847 = arith.cmpi sgt, %jit3A, %sign3A_846 : i32
      %sign3A_848 = arith.extui %sign3A_847 : i1 to i32
      %sign3A_849 = arith.constant 0 : i32
      %sign3A_850 = arith.cmpi slt, %jit3A, %sign3A_849 : i32
      %sign3A_851 = arith.extui %sign3A_850 : i1 to i32
      %sign3A_852 = arith.subi %sign3A_848, %sign3A_851 : i32
      %ne3A = arith.cmpi ne, %sign3A_845, %sign3A_852 : i32
      %rem3A = arith.remsi %scan3A_838, %jit3A : i32
      %ne3A_853 = arith.constant 0 : i32
      %ne3A_854 = arith.cmpi ne, %rem3A, %ne3A_853 : i32
      %and3A = arith.andi %ne3A, %ne3A_854 : i1
      %sub3A = arith.constant 1 : i32
      %sub3A_855 = arith.subi %div3A, %sub3A : i32
      %select_n3A = arith.select %and3A, %sub3A_855, %div3A : i32
      %jit3A_856 = arith.constant 8 : i32
      %eq3A_857 = arith.constant 0 : i32
      %eq3A_858 = arith.cmpi eq, %jit3A_856, %eq3A_857 : i32
      %jit3A_859 = arith.constant 1 : i32
      %select_n3A_860 = arith.select %eq3A_858, %jit3A_859, %jit3A_856 : i32
      %rem3A_861 = arith.remsi %scan3A_838, %select_n3A_860 : i32
      %ne3A_862 = arith.constant 0 : i32
      %ne3A_863 = arith.cmpi ne, %rem3A_861, %ne3A_862 : i32
      %lt3A = arith.constant 0 : i32
      %lt3A_864 = arith.cmpi slt, %rem3A_861, %lt3A : i32
      %lt3A_865 = arith.constant 0 : i32
      %lt3A_866 = arith.cmpi slt, %select_n3A_860, %lt3A_865 : i32
      %ne3A_867 = arith.xori %lt3A_864, %lt3A_866 : i1
      %and3A_868 = arith.andi %ne3A_867, %ne3A_863 : i1
      %add3A_869 = arith.addi %rem3A_861, %select_n3A_860 : i32
      %select_n3A_870 = arith.select %and3A_868, %add3A_869, %rem3A_861 : i32
      %mul3A_871 = arith.constant 16 : i32
      %mul3A_872 = arith.muli %select_n3A_870, %mul3A_871 : i32
      %broadcast_in_dim3A = arith.constant 0.000000e+00 : f32
      %broadcast_in_dim3A_873 = vector.broadcast %broadcast_in_dim3A : f32 to vector<16xf32>
      %swap3A = arith.constant 280 : i32
      %swap3A_874 = arith.constant 0 : i32
      %swap3A_875 = tpu.memref_slice %arg9[%swap3A, %swap3A_874] : memref<320x128xf32, #tpu.memory_space<vmem>> -> memref<40x128xf32, #tpu.memory_space<vmem>>
      %swap3A_876 = arith.index_cast %select_n3A : i32 to index
      %swap3A_877 = arith.index_cast %mul3A_872 : i32 to index
      %swap3A_878 = tpu.vector_load %swap3A_875[%swap3A_876, %swap3A_877] {strides = array<i32>} : memref<40x128xf32, #tpu.memory_space<vmem>>, vector<1x16xf32>,
      %swap3A_879 = vector.shape_cast %swap3A_878 : vector<1x16xf32> to vector<16xf32>
      %swap3A_880 = vector.shape_cast %broadcast_in_dim3A_873 : vector<16xf32> to vector<1x16xf32>
      tpu.vector_store %swap3A_875[%swap3A_876, %swap3A_877], %swap3A_880 {strides = array<i32>} : memref<40x128xf32, #tpu.memory_space<vmem>>, vector<1x16xf32>,
      %scan3A_881 = arith.constant 0 : i32
      scf.yield %scan3A_881 : i32
    }
    %scan3A_8 = arith.constant 320 : i32
    %mul3A_9 = arith.constant 640 : i32
    %mul3A_10 = arith.muli %arg1, %mul3A_9 : i32
    %add3A_11 = arith.constant 0 : i32
    %add3A_12 = arith.addi %mul3A_2, %add3A_11 : i32
    %dma_start3A = arith.constant 0 : i32
    %dma_start3A_13 = arith.constant 0 : i32
    %dma_start3A_14 = arith.constant 0 : i32
    %dma_start3A_15 = tpu.memref_slice %arg7[%dma_start3A, %dma_start3A_14] : memref<12x40xi32, #tpu.memory_space<vmem>> -> memref<1x40xi32, #tpu.memory_space<vmem>>
    %dma_start3A_16 = tpu.memref_squeeze %dma_start3A_15 : memref<1x40xi32, #tpu.memory_space<vmem>> -> memref<40xi32, #tpu.memory_space<vmem>>
    %dma_start3A_17 = tpu.memref_slice %arg2[%add3A_12] : memref<320000xi32, #tpu.memory_space<hbm>> -> memref<40xi32, #tpu.memory_space<hbm>>
    %dma_start3A_18 = tpu.memref_slice %arg13[%dma_start3A_13] : memref<12x!tpu.dma_semaphore, #tpu.memory_space<semaphore_mem>> -> memref<1x!tpu.dma_semaphore, #tpu.memory_space<semaphore_mem>>
    %dma_start3A_19 = tpu.memref_squeeze %dma_start3A_18 : memref<1x!tpu.dma_semaphore, #tpu.memory_space<semaphore_mem>> -> memref<!tpu.dma_semaphore, #tpu.memory_space<semaphore_mem>>
    %dma_start3A_20 = arith.constant 0 : i32
    %dma_start3A_21 = tpu.memref_slice %arg7[%dma_start3A, %dma_start3A_20] : memref<12x40xi32, #tpu.memory_space<vmem>> -> memref<1x40xi32, #tpu.memory_space<vmem>>
    %dma_start3A_22 = tpu.memref_squeeze %dma_start3A_21 : memref<1x40xi32, #tpu.memory_space<vmem>> -> memref<40xi32, #tpu.memory_space<vmem>>
    %dma_start3A_23 = tpu.memref_slice %arg2[%add3A_12] : memref<320000xi32, #tpu.memory_space<hbm>> -> memref<40xi32, #tpu.memory_space<hbm>>
    tpu.enqueue_dma source(%dma_start3A_23 : memref<40xi32, #tpu.memory_space<hbm>>) target(%dma_start3A_22 : memref<40xi32, #tpu.memory_space<vmem>>) target_semaphore(%dma_start3A_19 : memref<!tpu.dma_semaphore, #tpu.memory_space<semaphore_mem>>)
    %dma_start3A_24 = arith.constant 0 : i32
    %dma_start3A_25 = arith.constant 0 : i32
    %dma_start3A_26 = arith.constant 0 : i32
    %dma_start3A_27 = tpu.memref_slice %arg8[%dma_start3A_24, %dma_start3A_26] : memref<12x40xi32, #tpu.memory_space<vmem>> -> memref<1x40xi32, #tpu.memory_space<vmem>>
    %dma_start3A_28 = tpu.memref_squeeze %dma_start3A_27 : memref<1x40xi32, #tpu.memory_space<vmem>> -> memref<40xi32, #tpu.memory_space<vmem>>
    %dma_start3A_29 = tpu.memref_slice %arg3[%add3A_12] : memref<320000xi32, #tpu.memory_space<hbm>> -> memref<40xi32, #tpu.memory_space<hbm>>
    %dma_start3A_30 = tpu.memref_slice %arg13[%dma_start3A_25] : memref<12x!tpu.dma_semaphore, #tpu.memory_space<semaphore_mem>> -> memref<1x!tpu.dma_semaphore, #tpu.memory_space<semaphore_mem>>
    %dma_start3A_31 = tpu.memref_squeeze %dma_start3A_30 : memref<1x!tpu.dma_semaphore, #tpu.memory_space<semaphore_mem>> -> memref<!tpu.dma_semaphore, #tpu.memory_space<semaphore_mem>>
    %dma_start3A_32 = arith.constant 0 : i32
    %dma_start3A_33 = tpu.memref_slice %arg8[%dma_start3A_24, %dma_start3A_32] : memref<12x40xi32, #tpu.memory_space<vmem>> -> memref<1x40xi32, #tpu.memory_space<vmem>>
    %dma_start3A_34 = tpu.memref_squeeze %dma_start3A_33 : memref<1x40xi32, #tpu.memory_space<vmem>> -> memref<40xi32, #tpu.memory_space<vmem>>
    %dma_start3A_35 = tpu.memref_slice %arg3[%add3A_12] : memref<320000xi32, #tpu.memory_space<hbm>> -> memref<40xi32, #tpu.memory_space<hbm>>
    tpu.enqueue_dma source(%dma_start3A_35 : memref<40xi32, #tpu.memory_space<hbm>>) target(%dma_start3A_34 : memref<40xi32, #tpu.memory_space<vmem>>) target_semaphore(%dma_start3A_31 : memref<!tpu.dma_semaphore, #tpu.memory_space<semaphore_mem>>)
    %add3A_36 = arith.constant 40 : i32
    %add3A_37 = arith.addi %mul3A_2, %add3A_36 : i32
    %dma_start3A_38 = arith.constant 1 : i32
    %dma_start3A_39 = arith.constant 1 : i32
    %dma_start3A_40 = arith.constant 0 : i32
    %dma_start3A_41 = tpu.memref_slice %arg7[%dma_start3A_38, %dma_start3A_40] : memref<12x40xi32, #tpu.memory_space<vmem>> -> memref<1x40xi32, #tpu.memory_space<vmem>>
    %dma_start3A_42 = tpu.memref_squeeze %dma_start3A_41 : memref<1x40xi32, #tpu.memory_space<vmem>> -> memref<40xi32, #tpu.memory_space<vmem>>
    %dma_start3A_43 = tpu.memref_slice %arg2[%add3A_37] : memref<320000xi32, #tpu.memory_space<hbm>> -> memref<40xi32, #tpu.memory_space<hbm>>
    %dma_start3A_44 = tpu.memref_slice %arg13[%dma_start3A_39] : memref<12x!tpu.dma_semaphore, #tpu.memory_space<semaphore_mem>> -> memref<1x!tpu.dma_semaphore, #tpu.memory_space<semaphore_mem>>
    %dma_start3A_45 = tpu.memref_squeeze %dma_start3A_44 : memref<1x!tpu.dma_semaphore, #tpu.memory_space<semaphore_mem>> -> memref<!tpu.dma_semaphore, #tpu.memory_space<semaphore_mem>>
    %dma_start3A_46 = arith.constant 0 : i32
    %dma_start3A_47 = tpu.memref_slice %arg7[%dma_start3A_38, %dma_start3A_46] : memref<12x40xi32, #tpu.memory_space<vmem>> -> memref<1x40xi32, #tpu.memory_space<vmem>>
    %dma_start3A_48 = tpu.memref_squeeze %dma_start3A_47 : memref<1x40xi32, #tpu.memory_space<vmem>> -> memref<40xi32, #tpu.memory_space<vmem>>
    %dma_start3A_49 = tpu.memref_slice %arg2[%add3A_37] : memref<320000xi32, #tpu.memory_space<hbm>> -> memref<40xi32, #tpu.memory_space<hbm>>
    tpu.enqueue_dma source(%dma_start3A_49 : memref<40xi32, #tpu.memory_space<hbm>>) target(%dma_start3A_48 : memref<40xi32, #tpu.memory_space<vmem>>) target_semaphore(%dma_start3A_45 : memref<!tpu.dma_semaphore, #tpu.memory_space<semaphore_mem>>)
    %dma_start3A_50 = arith.constant 1 : i32
    %dma_start3A_51 = arith.constant 1 : i32
    %dma_start3A_52 = arith.constant 0 : i32
    %dma_start3A_53 = tpu.memref_slice %arg8[%dma_start3A_50, %dma_start3A_52] : memref<12x40xi32, #tpu.memory_space<vmem>> -> memref<1x40xi32, #tpu.memory_space<vmem>>
    %dma_start3A_54 = tpu.memref_squeeze %dma_start3A_53 : memref<1x40xi32, #tpu.memory_space<vmem>> -> memref<40xi32, #tpu.memory_space<vmem>>
    %dma_start3A_55 = tpu.memref_slice %arg3[%add3A_37] : memref<320000xi32, #tpu.memory_space<hbm>> -> memref<40xi32, #tpu.memory_space<hbm>>
    %dma_start3A_56 = tpu.memref_slice %arg13[%dma_start3A_51] : memref<12x!tpu.dma_semaphore, #tpu.memory_space<semaphore_mem>> -> memref<1x!tpu.dma_semaphore, #tpu.memory_space<semaphore_mem>>
    %dma_start3A_57 = tpu.memref_squeeze %dma_start3A_56 : memref<1x!tpu.dma_semaphore, #tpu.memory_space<semaphore_mem>> -> memref<!tpu.dma_semaphore, #tpu.memory_space<semaphore_mem>>
    %dma_start3A_58 = arith.constant 0 : i32
    %dma_start3A_59 = tpu.memref_slice %arg8[%dma_start3A_50, %dma_start3A_58] : memref<12x40xi32, #tpu.memory_space<vmem>> -> memref<1x40xi32, #tpu.memory_space<vmem>>
    %dma_start3A_60 = tpu.memref_squeeze %dma_start3A_59 : memref<1x40xi32, #tpu.memory_space<vmem>> -> memref<40xi32, #tpu.memory_space<vmem>>
    %dma_start3A_61 = tpu.memref_slice %arg3[%add3A_37] : memref<320000xi32, #tpu.memory_space<hbm>> -> memref<40xi32, #tpu.memory_space<hbm>>
    tpu.enqueue_dma source(%dma_start3A_61 : memref<40xi32, #tpu.memory_space<hbm>>) target(%dma_start3A_60 : memref<40xi32, #tpu.memory_space<vmem>>) target_semaphore(%dma_start3A_57 : memref<!tpu.dma_semaphore, #tpu.memory_space<semaphore_mem>>)
    %add3A_62 = arith.constant 80 : i32
    %add3A_63 = arith.addi %mul3A_2, %add3A_62 : i32
    %dma_start3A_64 = arith.constant 2 : i32
    %dma_start3A_65 = arith.constant 2 : i32
    %dma_start3A_66 = arith.constant 0 : i32
    %dma_start3A_67 = tpu.memref_slice %arg7[%dma_start3A_64, %dma_start3A_66] : memref<12x40xi32, #tpu.memory_space<vmem>> -> memref<1x40xi32, #tpu.memory_space<vmem>>
    %dma_start3A_68 = tpu.memref_squeeze %dma_start3A_67 : memref<1x40xi32, #tpu.memory_space<vmem>> -> memref<40xi32, #tpu.memory_space<vmem>>
    %dma_start3A_69 = tpu.memref_slice %arg2[%add3A_63] : memref<320000xi32, #tpu.memory_space<hbm>> -> memref<40xi32, #tpu.memory_space<hbm>>
    %dma_start3A_70 = tpu.memref_slice %arg13[%dma_start3A_65] : memref<12x!tpu.dma_semaphore, #tpu.memory_space<semaphore_mem>> -> memref<1x!tpu.dma_semaphore, #tpu.memory_space<semaphore_mem>>
    %dma_start3A_71 = tpu.memref_squeeze %dma_start3A_70 : memref<1x!tpu.dma_semaphore, #tpu.memory_space<semaphore_mem>> -> memref<!tpu.dma_semaphore, #tpu.memory_space<semaphore_mem>>
    %dma_start3A_72 = arith.constant 0 : i32
    %dma_start3A_73 = tpu.memref_slice %arg7[%dma_start3A_64, %dma_start3A_72] : memref<12x40xi32, #tpu.memory_space<vmem>> -> memref<1x40xi32, #tpu.memory_space<vmem>>
    %dma_start3A_74 = tpu.memref_squeeze %dma_start3A_73 : memref<1x40xi32, #tpu.memory_space<vmem>> -> memref<40xi32, #tpu.memory_space<vmem>>
    %dma_start3A_75 = tpu.memref_slice %arg2[%add3A_63] : memref<320000xi32, #tpu.memory_space<hbm>> -> memref<40xi32, #tpu.memory_space<hbm>>
    tpu.enqueue_dma source(%dma_start3A_75 : memref<40xi32, #tpu.memory_space<hbm>>) target(%dma_start3A_74 : memref<40xi32, #tpu.memory_space<vmem>>) target_semaphore(%dma_start3A_71 : memref<!tpu.dma_semaphore, #tpu.memory_space<semaphore_mem>>)
    %dma_start3A_76 = arith.constant 2 : i32
    %dma_start3A_77 = arith.constant 2 : i32
    %dma_start3A_78 = arith.constant 0 : i32
    %dma_start3A_79 = tpu.memref_slice %arg8[%dma_start3A_76, %dma_start3A_78] : memref<12x40xi32, #tpu.memory_space<vmem>> -> memref<1x40xi32, #tpu.memory_space<vmem>>
    %dma_start3A_80 = tpu.memref_squeeze %dma_start3A_79 : memref<1x40xi32, #tpu.memory_space<vmem>> -> memref<40xi32, #tpu.memory_space<vmem>>
    %dma_start3A_81 = tpu.memref_slice %arg3[%add3A_63] : memref<320000xi32, #tpu.memory_space<hbm>> -> memref<40xi32, #tpu.memory_space<hbm>>
    %dma_start3A_82 = tpu.memref_slice %arg13[%dma_start3A_77] : memref<12x!tpu.dma_semaphore, #tpu.memory_space<semaphore_mem>> -> memref<1x!tpu.dma_semaphore, #tpu.memory_space<semaphore_mem>>
    %dma_start3A_83 = tpu.memref_squeeze %dma_start3A_82 : memref<1x!tpu.dma_semaphore, #tpu.memory_space<semaphore_mem>> -> memref<!tpu.dma_semaphore, #tpu.memory_space<semaphore_mem>>
    %dma_start3A_84 = arith.constant 0 : i32
    %dma_start3A_85 = tpu.memref_slice %arg8[%dma_start3A_76, %dma_start3A_84] : memref<12x40xi32, #tpu.memory_space<vmem>> -> memref<1x40xi32, #tpu.memory_space<vmem>>
    %dma_start3A_86 = tpu.memref_squeeze %dma_start3A_85 : memref<1x40xi32, #tpu.memory_space<vmem>> -> memref<40xi32, #tpu.memory_space<vmem>>
    %dma_start3A_87 = tpu.memref_slice %arg3[%add3A_63] : memref<320000xi32, #tpu.memory_space<hbm>> -> memref<40xi32, #tpu.memory_space<hbm>>
    tpu.enqueue_dma source(%dma_start3A_87 : memref<40xi32, #tpu.memory_space<hbm>>) target(%dma_start3A_86 : memref<40xi32, #tpu.memory_space<vmem>>) target_semaphore(%dma_start3A_83 : memref<!tpu.dma_semaphore, #tpu.memory_space<semaphore_mem>>)
    %add3A_88 = arith.constant 120 : i32
    %add3A_89 = arith.addi %mul3A_2, %add3A_88 : i32
    %dma_start3A_90 = arith.constant 3 : i32
    %dma_start3A_91 = arith.constant 3 : i32
    %dma_start3A_92 = arith.constant 0 : i32
    %dma_start3A_93 = tpu.memref_slice %arg7[%dma_start3A_90, %dma_start3A_92] : memref<12x40xi32, #tpu.memory_space<vmem>> -> memref<1x40xi32, #tpu.memory_space<vmem>>
    %dma_start3A_94 = tpu.memref_squeeze %dma_start3A_93 : memref<1x40xi32, #tpu.memory_space<vmem>> -> memref<40xi32, #tpu.memory_space<vmem>>
    %dma_start3A_95 = tpu.memref_slice %arg2[%add3A_89] : memref<320000xi32, #tpu.memory_space<hbm>> -> memref<40xi32, #tpu.memory_space<hbm>>
    %dma_start3A_96 = tpu.memref_slice %arg13[%dma_start3A_91] : memref<12x!tpu.dma_semaphore, #tpu.memory_space<semaphore_mem>> -> memref<1x!tpu.dma_semaphore, #tpu.memory_space<semaphore_mem>>
    %dma_start3A_97 = tpu.memref_squeeze %dma_start3A_96 : memref<1x!tpu.dma_semaphore, #tpu.memory_space<semaphore_mem>> -> memref<!tpu.dma_semaphore, #tpu.memory_space<semaphore_mem>>
    %dma_start3A_98 = arith.constant 0 : i32
    %dma_start3A_99 = tpu.memref_slice %arg7[%dma_start3A_90, %dma_start3A_98] : memref<12x40xi32, #tpu.memory_space<vmem>> -> memref<1x40xi32, #tpu.memory_space<vmem>>
    %dma_start3A_100 = tpu.memref_squeeze %dma_start3A_99 : memref<1x40xi32, #tpu.memory_space<vmem>> -> memref<40xi32, #tpu.memory_space<vmem>>
    %dma_start3A_101 = tpu.memref_slice %arg2[%add3A_89] : memref<320000xi32, #tpu.memory_space<hbm>> -> memref<40xi32, #tpu.memory_space<hbm>>
    tpu.enqueue_dma source(%dma_start3A_101 : memref<40xi32, #tpu.memory_space<hbm>>) target(%dma_start3A_100 : memref<40xi32, #tpu.memory_space<vmem>>) target_semaphore(%dma_start3A_97 : memref<!tpu.dma_semaphore, #tpu.memory_space<semaphore_mem>>)
    %dma_start3A_102 = arith.constant 3 : i32
    %dma_start3A_103 = arith.constant 3 : i32
    %dma_start3A_104 = arith.constant 0 : i32
    %dma_start3A_105 = tpu.memref_slice %arg8[%dma_start3A_102, %dma_start3A_104] : memref<12x40xi32, #tpu.memory_space<vmem>> -> memref<1x40xi32, #tpu.memory_space<vmem>>
    %dma_start3A_106 = tpu.memref_squeeze %dma_start3A_105 : memref<1x40xi32, #tpu.memory_space<vmem>> -> memref<40xi32, #tpu.memory_space<vmem>>
    %dma_start3A_107 = tpu.memref_slice %arg3[%add3A_89] : memref<320000xi32, #tpu.memory_space<hbm>> -> memref<40xi32, #tpu.memory_space<hbm>>
    %dma_start3A_108 = tpu.memref_slice %arg13[%dma_start3A_103] : memref<12x!tpu.dma_semaphore, #tpu.memory_space<semaphore_mem>> -> memref<1x!tpu.dma_semaphore, #tpu.memory_space<semaphore_mem>>
    %dma_start3A_109 = tpu.memref_squeeze %dma_start3A_108 : memref<1x!tpu.dma_semaphore, #tpu.memory_space<semaphore_mem>> -> memref<!tpu.dma_semaphore, #tpu.memory_space<semaphore_mem>>
    %dma_start3A_110 = arith.constant 0 : i32
    %dma_start3A_111 = tpu.memref_slice %arg8[%dma_start3A_102, %dma_start3A_110] : memref<12x40xi32, #tpu.memory_space<vmem>> -> memref<1x40xi32, #tpu.memory_space<vmem>>
    %dma_start3A_112 = tpu.memref_squeeze %dma_start3A_111 : memref<1x40xi32, #tpu.memory_space<vmem>> -> memref<40xi32, #tpu.memory_space<vmem>>
    %dma_start3A_113 = tpu.memref_slice %arg3[%add3A_89] : memref<320000xi32, #tpu.memory_space<hbm>> -> memref<40xi32, #tpu.memory_space<hbm>>
    tpu.enqueue_dma source(%dma_start3A_113 : memref<40xi32, #tpu.memory_space<hbm>>) target(%dma_start3A_112 : memref<40xi32, #tpu.memory_space<vmem>>) target_semaphore(%dma_start3A_109 : memref<!tpu.dma_semaphore, #tpu.memory_space<semaphore_mem>>)
    %add3A_114 = arith.constant 160 : i32
    %add3A_115 = arith.addi %mul3A_2, %add3A_114 : i32
    %dma_start3A_116 = arith.constant 4 : i32
    %dma_start3A_117 = arith.constant 4 : i32
    %dma_start3A_118 = arith.constant 0 : i32
    %dma_start3A_119 = tpu.memref_slice %arg7[%dma_start3A_116, %dma_start3A_118] : memref<12x40xi32, #tpu.memory_space<vmem>> -> memref<1x40xi32, #tpu.memory_space<vmem>>
    %dma_start3A_120 = tpu.memref_squeeze %dma_start3A_119 : memref<1x40xi32, #tpu.memory_space<vmem>> -> memref<40xi32, #tpu.memory_space<vmem>>
    %dma_start3A_121 = tpu.memref_slice %arg2[%add3A_115] : memref<320000xi32, #tpu.memory_space<hbm>> -> memref<40xi32, #tpu.memory_space<hbm>>
    %dma_start3A_122 = tpu.memref_slice %arg13[%dma_start3A_117] : memref<12x!tpu.dma_semaphore, #tpu.memory_space<semaphore_mem>> -> memref<1x!tpu.dma_semaphore, #tpu.memory_space<semaphore_mem>>
    %dma_start3A_123 = tpu.memref_squeeze %dma_start3A_122 : memref<1x!tpu.dma_semaphore, #tpu.memory_space<semaphore_mem>> -> memref<!tpu.dma_semaphore, #tpu.memory_space<semaphore_mem>>
    %dma_start3A_124 = arith.constant 0 : i32
    %dma_start3A_125 = tpu.memref_slice %arg7[%dma_start3A_116, %dma_start3A_124] : memref<12x40xi32, #tpu.memory_space<vmem>> -> memref<1x40xi32, #tpu.memory_space<vmem>>
    %dma_start3A_126 = tpu.memref_squeeze %dma_start3A_125 : memref<1x40xi32, #tpu.memory_space<vmem>> -> memref<40xi32, #tpu.memory_space<vmem>>
    %dma_start3A_127 = tpu.memref_slice %arg2[%add3A_115] : memref<320000xi32, #tpu.memory_space<hbm>> -> memref<40xi32, #tpu.memory_space<hbm>>
    tpu.enqueue_dma source(%dma_start3A_127 : memref<40xi32, #tpu.memory_space<hbm>>) target(%dma_start3A_126 : memref<40xi32, #tpu.memory_space<vmem>>) target_semaphore(%dma_start3A_123 : memref<!tpu.dma_semaphore, #tpu.memory_space<semaphore_mem>>)
    %dma_start3A_128 = arith.constant 4 : i32
    %dma_start3A_129 = arith.constant 4 : i32
    %dma_start3A_130 = arith.constant 0 : i32
    %dma_start3A_131 = tpu.memref_slice %arg8[%dma_start3A_128, %dma_start3A_130] : memref<12x40xi32, #tpu.memory_space<vmem>> -> memref<1x40xi32, #tpu.memory_space<vmem>>
    %dma_start3A_132 = tpu.memref_squeeze %dma_start3A_131 : memref<1x40xi32, #tpu.memory_space<vmem>> -> memref<40xi32, #tpu.memory_space<vmem>>
    %dma_start3A_133 = tpu.memref_slice %arg3[%add3A_115] : memref<320000xi32, #tpu.memory_space<hbm>> -> memref<40xi32, #tpu.memory_space<hbm>>
    %dma_start3A_134 = tpu.memref_slice %arg13[%dma_start3A_129] : memref<12x!tpu.dma_semaphore, #tpu.memory_space<semaphore_mem>> -> memref<1x!tpu.dma_semaphore, #tpu.memory_space<semaphore_mem>>
    %dma_start3A_135 = tpu.memref_squeeze %dma_start3A_134 : memref<1x!tpu.dma_semaphore, #tpu.memory_space<semaphore_mem>> -> memref<!tpu.dma_semaphore, #tpu.memory_space<semaphore_mem>>
    %dma_start3A_136 = arith.constant 0 : i32
    %dma_start3A_137 = tpu.memref_slice %arg8[%dma_start3A_128, %dma_start3A_136] : memref<12x40xi32, #tpu.memory_space<vmem>> -> memref<1x40xi32, #tpu.memory_space<vmem>>
    %dma_start3A_138 = tpu.memref_squeeze %dma_start3A_137 : memref<1x40xi32, #tpu.memory_space<vmem>> -> memref<40xi32, #tpu.memory_space<vmem>>
    %dma_start3A_139 = tpu.memref_slice %arg3[%add3A_115] : memref<320000xi32, #tpu.memory_space<hbm>> -> memref<40xi32, #tpu.memory_space<hbm>>
    tpu.enqueue_dma source(%dma_start3A_139 : memref<40xi32, #tpu.memory_space<hbm>>) target(%dma_start3A_138 : memref<40xi32, #tpu.memory_space<vmem>>) target_semaphore(%dma_start3A_135 : memref<!tpu.dma_semaphore, #tpu.memory_space<semaphore_mem>>)
    %add3A_140 = arith.constant 200 : i32
    %add3A_141 = arith.addi %mul3A_2, %add3A_140 : i32
    %dma_start3A_142 = arith.constant 5 : i32
    %dma_start3A_143 = arith.constant 5 : i32
    %dma_start3A_144 = arith.constant 0 : i32
    %dma_start3A_145 = tpu.memref_slice %arg7[%dma_start3A_142, %dma_start3A_144] : memref<12x40xi32, #tpu.memory_space<vmem>> -> memref<1x40xi32, #tpu.memory_space<vmem>>
    %dma_start3A_146 = tpu.memref_squeeze %dma_start3A_145 : memref<1x40xi32, #tpu.memory_space<vmem>> -> memref<40xi32, #tpu.memory_space<vmem>>
    %dma_start3A_147 = tpu.memref_slice %arg2[%add3A_141] : memref<320000xi32, #tpu.memory_space<hbm>> -> memref<40xi32, #tpu.memory_space<hbm>>
    %dma_start3A_148 = tpu.memref_slice %arg13[%dma_start3A_143] : memref<12x!tpu.dma_semaphore, #tpu.memory_space<semaphore_mem>> -> memref<1x!tpu.dma_semaphore, #tpu.memory_space<semaphore_mem>>
    %dma_start3A_149 = tpu.memref_squeeze %dma_start3A_148 : memref<1x!tpu.dma_semaphore, #tpu.memory_space<semaphore_mem>> -> memref<!tpu.dma_semaphore, #tpu.memory_space<semaphore_mem>>
    %dma_start3A_150 = arith.constant 0 : i32
    %dma_start3A_151 = tpu.memref_slice %arg7[%dma_start3A_142, %dma_start3A_150] : memref<12x40xi32, #tpu.memory_space<vmem>> -> memref<1x40xi32, #tpu.memory_space<vmem>>
    %dma_start3A_152 = tpu.memref_squeeze %dma_start3A_151 : memref<1x40xi32, #tpu.memory_space<vmem>> -> memref<40xi32, #tpu.memory_space<vmem>>
    %dma_start3A_153 = tpu.memref_slice %arg2[%add3A_141] : memref<320000xi32, #tpu.memory_space<hbm>> -> memref<40xi32, #tpu.memory_space<hbm>>
    tpu.enqueue_dma source(%dma_start3A_153 : memref<40xi32, #tpu.memory_space<hbm>>) target(%dma_start3A_152 : memref<40xi32, #tpu.memory_space<vmem>>) target_semaphore(%dma_start3A_149 : memref<!tpu.dma_semaphore, #tpu.memory_space<semaphore_mem>>)
    %dma_start3A_154 = arith.constant 5 : i32
    %dma_start3A_155 = arith.constant 5 : i32
    %dma_start3A_156 = arith.constant 0 : i32
    %dma_start3A_157 = tpu.memref_slice %arg8[%dma_start3A_154, %dma_start3A_156] : memref<12x40xi32, #tpu.memory_space<vmem>> -> memref<1x40xi32, #tpu.memory_space<vmem>>
    %dma_start3A_158 = tpu.memref_squeeze %dma_start3A_157 : memref<1x40xi32, #tpu.memory_space<vmem>> -> memref<40xi32, #tpu.memory_space<vmem>>
    %dma_start3A_159 = tpu.memref_slice %arg3[%add3A_141] : memref<320000xi32, #tpu.memory_space<hbm>> -> memref<40xi32, #tpu.memory_space<hbm>>
    %dma_start3A_160 = tpu.memref_slice %arg13[%dma_start3A_155] : memref<12x!tpu.dma_semaphore, #tpu.memory_space<semaphore_mem>> -> memref<1x!tpu.dma_semaphore, #tpu.memory_space<semaphore_mem>>
    %dma_start3A_161 = tpu.memref_squeeze %dma_start3A_160 : memref<1x!tpu.dma_semaphore, #tpu.memory_space<semaphore_mem>> -> memref<!tpu.dma_semaphore, #tpu.memory_space<semaphore_mem>>
    %dma_start3A_162 = arith.constant 0 : i32
    %dma_start3A_163 = tpu.memref_slice %arg8[%dma_start3A_154, %dma_start3A_162] : memref<12x40xi32, #tpu.memory_space<vmem>> -> memref<1x40xi32, #tpu.memory_space<vmem>>
    %dma_start3A_164 = tpu.memref_squeeze %dma_start3A_163 : memref<1x40xi32, #tpu.memory_space<vmem>> -> memref<40xi32, #tpu.memory_space<vmem>>
    %dma_start3A_165 = tpu.memref_slice %arg3[%add3A_141] : memref<320000xi32, #tpu.memory_space<hbm>> -> memref<40xi32, #tpu.memory_space<hbm>>
    tpu.enqueue_dma source(%dma_start3A_165 : memref<40xi32, #tpu.memory_space<hbm>>) target(%dma_start3A_164 : memref<40xi32, #tpu.memory_space<vmem>>) target_semaphore(%dma_start3A_161 : memref<!tpu.dma_semaphore, #tpu.memory_space<semaphore_mem>>)
    %add3A_166 = arith.constant 240 : i32
    %add3A_167 = arith.addi %mul3A_2, %add3A_166 : i32
    %dma_start3A_168 = arith.constant 6 : i32
    %dma_start3A_169 = arith.constant 6 : i32
    %dma_start3A_170 = arith.constant 0 : i32
    %dma_start3A_171 = tpu.memref_slice %arg7[%dma_start3A_168, %dma_start3A_170] : memref<12x40xi32, #tpu.memory_space<vmem>> -> memref<1x40xi32, #tpu.memory_space<vmem>>
    %dma_start3A_172 = tpu.memref_squeeze %dma_start3A_171 : memref<1x40xi32, #tpu.memory_space<vmem>> -> memref<40xi32, #tpu.memory_space<vmem>>
    %dma_start3A_173 = tpu.memref_slice %arg2[%add3A_167] : memref<320000xi32, #tpu.memory_space<hbm>> -> memref<40xi32, #tpu.memory_space<hbm>>
    %dma_start3A_174 = tpu.memref_slice %arg13[%dma_start3A_169] : memref<12x!tpu.dma_semaphore, #tpu.memory_space<semaphore_mem>> -> memref<1x!tpu.dma_semaphore, #tpu.memory_space<semaphore_mem>>
    %dma_start3A_175 = tpu.memref_squeeze %dma_start3A_174 : memref<1x!tpu.dma_semaphore, #tpu.memory_space<semaphore_mem>> -> memref<!tpu.dma_semaphore, #tpu.memory_space<semaphore_mem>>
    %dma_start3A_176 = arith.constant 0 : i32
    %dma_start3A_177 = tpu.memref_slice %arg7[%dma_start3A_168, %dma_start3A_176] : memref<12x40xi32, #tpu.memory_space<vmem>> -> memref<1x40xi32, #tpu.memory_space<vmem>>
    %dma_start3A_178 = tpu.memref_squeeze %dma_start3A_177 : memref<1x40xi32, #tpu.memory_space<vmem>> -> memref<40xi32, #tpu.memory_space<vmem>>
    %dma_start3A_179 = tpu.memref_slice %arg2[%add3A_167] : memref<320000xi32, #tpu.memory_space<hbm>> -> memref<40xi32, #tpu.memory_space<hbm>>
    tpu.enqueue_dma source(%dma_start3A_179 : memref<40xi32, #tpu.memory_space<hbm>>) target(%dma_start3A_178 : memref<40xi32, #tpu.memory_space<vmem>>) target_semaphore(%dma_start3A_175 : memref<!tpu.dma_semaphore, #tpu.memory_space<semaphore_mem>>)
    %dma_start3A_180 = arith.constant 6 : i32
    %dma_start3A_181 = arith.constant 6 : i32
    %dma_start3A_182 = arith.constant 0 : i32
    %dma_start3A_183 = tpu.memref_slice %arg8[%dma_start3A_180, %dma_start3A_182] : memref<12x40xi32, #tpu.memory_space<vmem>> -> memref<1x40xi32, #tpu.memory_space<vmem>>
    %dma_start3A_184 = tpu.memref_squeeze %dma_start3A_183 : memref<1x40xi32, #tpu.memory_space<vmem>> -> memref<40xi32, #tpu.memory_space<vmem>>
    %dma_start3A_185 = tpu.memref_slice %arg3[%add3A_167] : memref<320000xi32, #tpu.memory_space<hbm>> -> memref<40xi32, #tpu.memory_space<hbm>>
    %dma_start3A_186 = tpu.memref_slice %arg13[%dma_start3A_181] : memref<12x!tpu.dma_semaphore, #tpu.memory_space<semaphore_mem>> -> memref<1x!tpu.dma_semaphore, #tpu.memory_space<semaphore_mem>>
    %dma_start3A_187 = tpu.memref_squeeze %dma_start3A_186 : memref<1x!tpu.dma_semaphore, #tpu.memory_space<semaphore_mem>> -> memref<!tpu.dma_semaphore, #tpu.memory_space<semaphore_mem>>
    %dma_start3A_188 = arith.constant 0 : i32
    %dma_start3A_189 = tpu.memref_slice %arg8[%dma_start3A_180, %dma_start3A_188] : memref<12x40xi32, #tpu.memory_space<vmem>> -> memref<1x40xi32, #tpu.memory_space<vmem>>
    %dma_start3A_190 = tpu.memref_squeeze %dma_start3A_189 : memref<1x40xi32, #tpu.memory_space<vmem>> -> memref<40xi32, #tpu.memory_space<vmem>>
    %dma_start3A_191 = tpu.memref_slice %arg3[%add3A_167] : memref<320000xi32, #tpu.memory_space<hbm>> -> memref<40xi32, #tpu.memory_space<hbm>>
    tpu.enqueue_dma source(%dma_start3A_191 : memref<40xi32, #tpu.memory_space<hbm>>) target(%dma_start3A_190 : memref<40xi32, #tpu.memory_space<vmem>>) target_semaphore(%dma_start3A_187 : memref<!tpu.dma_semaphore, #tpu.memory_space<semaphore_mem>>)
    %add3A_192 = arith.constant 280 : i32
    %add3A_193 = arith.addi %mul3A_2, %add3A_192 : i32
    %dma_start3A_194 = arith.constant 7 : i32
    %dma_start3A_195 = arith.constant 7 : i32
    %dma_start3A_196 = arith.constant 0 : i32
    %dma_start3A_197 = tpu.memref_slice %arg7[%dma_start3A_194, %dma_start3A_196] : memref<12x40xi32, #tpu.memory_space<vmem>> -> memref<1x40xi32, #tpu.memory_space<vmem>>
    %dma_start3A_198 = tpu.memref_squeeze %dma_start3A_197 : memref<1x40xi32, #tpu.memory_space<vmem>> -> memref<40xi32, #tpu.memory_space<vmem>>
    %dma_start3A_199 = tpu.memref_slice %arg2[%add3A_193] : memref<320000xi32, #tpu.memory_space<hbm>> -> memref<40xi32, #tpu.memory_space<hbm>>
    %dma_start3A_200 = tpu.memref_slice %arg13[%dma_start3A_195] : memref<12x!tpu.dma_semaphore, #tpu.memory_space<semaphore_mem>> -> memref<1x!tpu.dma_semaphore, #tpu.memory_space<semaphore_mem>>
    %dma_start3A_201 = tpu.memref_squeeze %dma_start3A_200 : memref<1x!tpu.dma_semaphore, #tpu.memory_space<semaphore_mem>> -> memref<!tpu.dma_semaphore, #tpu.memory_space<semaphore_mem>>
    %dma_start3A_202 = arith.constant 0 : i32
    %dma_start3A_203 = tpu.memref_slice %arg7[%dma_start3A_194, %dma_start3A_202] : memref<12x40xi32, #tpu.memory_space<vmem>> -> memref<1x40xi32, #tpu.memory_space<vmem>>
    %dma_start3A_204 = tpu.memref_squeeze %dma_start3A_203 : memref<1x40xi32, #tpu.memory_space<vmem>> -> memref<40xi32, #tpu.memory_space<vmem>>
    %dma_start3A_205 = tpu.memref_slice %arg2[%add3A_193] : memref<320000xi32, #tpu.memory_space<hbm>> -> memref<40xi32, #tpu.memory_space<hbm>>
    tpu.enqueue_dma source(%dma_start3A_205 : memref<40xi32, #tpu.memory_space<hbm>>) target(%dma_start3A_204 : memref<40xi32, #tpu.memory_space<vmem>>) target_semaphore(%dma_start3A_201 : memref<!tpu.dma_semaphore, #tpu.memory_space<semaphore_mem>>)
    %dma_start3A_206 = arith.constant 7 : i32
    %dma_start3A_207 = arith.constant 7 : i32
    %dma_start3A_208 = arith.constant 0 : i32
    %dma_start3A_209 = tpu.memref_slice %arg8[%dma_start3A_206, %dma_start3A_208] : memref<12x40xi32, #tpu.memory_space<vmem>> -> memref<1x40xi32, #tpu.memory_space<vmem>>
    %dma_start3A_210 = tpu.memref_squeeze %dma_start3A_209 : memref<1x40xi32, #tpu.memory_space<vmem>> -> memref<40xi32, #tpu.memory_space<vmem>>
    %dma_start3A_211 = tpu.memref_slice %arg3[%add3A_193] : memref<320000xi32, #tpu.memory_space<hbm>> -> memref<40xi32, #tpu.memory_space<hbm>>
    %dma_start3A_212 = tpu.memref_slice %arg13[%dma_start3A_207] : memref<12x!tpu.dma_semaphore, #tpu.memory_space<semaphore_mem>> -> memref<1x!tpu.dma_semaphore, #tpu.memory_space<semaphore_mem>>
    %dma_start3A_213 = tpu.memref_squeeze %dma_start3A_212 : memref<1x!tpu.dma_semaphore, #tpu.memory_space<semaphore_mem>> -> memref<!tpu.dma_semaphore, #tpu.memory_space<semaphore_mem>>
    %dma_start3A_214 = arith.constant 0 : i32
    %dma_start3A_215 = tpu.memref_slice %arg8[%dma_start3A_206, %dma_start3A_214] : memref<12x40xi32, #tpu.memory_space<vmem>> -> memref<1x40xi32, #tpu.memory_space<vmem>>
    %dma_start3A_216 = tpu.memref_squeeze %dma_start3A_215 : memref<1x40xi32, #tpu.memory_space<vmem>> -> memref<40xi32, #tpu.memory_space<vmem>>
    %dma_start3A_217 = tpu.memref_slice %arg3[%add3A_193] : memref<320000xi32, #tpu.memory_space<hbm>> -> memref<40xi32, #tpu.memory_space<hbm>>
    tpu.enqueue_dma source(%dma_start3A_217 : memref<40xi32, #tpu.memory_space<hbm>>) target(%dma_start3A_216 : memref<40xi32, #tpu.memory_space<vmem>>) target_semaphore(%dma_start3A_213 : memref<!tpu.dma_semaphore, #tpu.memory_space<semaphore_mem>>)
    %add3A_218 = arith.constant 0 : i32
    %add3A_219 = arith.addi %mul3A_10, %add3A_218 : i32
    %dma_start3A_220 = arith.constant 280 : i32
    %dma_start3A_221 = arith.constant 0 : i32
    %dma_start3A_222 = tpu.memref_slice %arg9[%dma_start3A_220, %dma_start3A_221] : memref<320x128xf32, #tpu.memory_space<vmem>> -> memref<40x128xf32, #tpu.memory_space<vmem>>
    %dma_start3A_223 = arith.constant 0 : i32
    %dma_start3A_224 = tpu.memref_slice %arg10[%add3A_219, %dma_start3A_223] : memref<10240x128xf32, #tpu.memory_space<vmem_shared>> -> memref<40x128xf32, #tpu.memory_space<vmem_shared>>
    %dma_start3A_225 = arith.constant 0 : i32
    %dma_start3A_226 = tpu.memref_slice %arg10[%add3A_219, %dma_start3A_225] : memref<10240x128xf32, #tpu.memory_space<vmem_shared>> -> memref<40x128xf32, #tpu.memory_space<vmem_shared>>
    %dma_start3A_227 = arith.constant 280 : i32
    %dma_start3A_228 = arith.constant 0 : i32
    %dma_start3A_229 = tpu.memref_slice %arg9[%dma_start3A_227, %dma_start3A_228] : memref<320x128xf32, #tpu.memory_space<vmem>> -> memref<40x128xf32, #tpu.memory_space<vmem>>
    tpu.enqueue_dma source(%dma_start3A_229 : memref<40x128xf32, #tpu.memory_space<vmem>>) target(%dma_start3A_226 : memref<40x128xf32, #tpu.memory_space<vmem_shared>>) target_semaphore(%arg14 : memref<!tpu.dma_semaphore, #tpu.memory_space<semaphore_mem>>)
    %add3A_230 = arith.constant 40 : i32
    %add3A_231 = arith.addi %mul3A_10, %add3A_230 : i32
    %dma_start3A_232 = arith.constant 280 : i32
    %dma_start3A_233 = arith.constant 0 : i32
    %dma_start3A_234 = tpu.memref_slice %arg9[%dma_start3A_232, %dma_start3A_233] : memref<320x128xf32, #tpu.memory_space<vmem>> -> memref<40x128xf32, #tpu.memory_space<vmem>>
    %dma_start3A_235 = arith.constant 0 : i32
    %dma_start3A_236 = tpu.memref_slice %arg10[%add3A_231, %dma_start3A_235] : memref<10240x128xf32, #tpu.memory_space<vmem_shared>> -> memref<40x128xf32, #tpu.memory_space<vmem_shared>>
    %dma_start3A_237 = arith.constant 0 : i32
    %dma_start3A_238 = tpu.memref_slice %arg10[%add3A_231, %dma_start3A_237] : memref<10240x128xf32, #tpu.memory_space<vmem_shared>> -> memref<40x128xf32, #tpu.memory_space<vmem_shared>>
    %dma_start3A_239 = arith.constant 280 : i32
    %dma_start3A_240 = arith.constant 0 : i32
    %dma_start3A_241 = tpu.memref_slice %arg9[%dma_start3A_239, %dma_start3A_240] : memref<320x128xf32, #tpu.memory_space<vmem>> -> memref<40x128xf32, #tpu.memory_space<vmem>>
    tpu.enqueue_dma source(%dma_start3A_241 : memref<40x128xf32, #tpu.memory_space<vmem>>) target(%dma_start3A_238 : memref<40x128xf32, #tpu.memory_space<vmem_shared>>) target_semaphore(%arg14 : memref<!tpu.dma_semaphore, #tpu.memory_space<semaphore_mem>>)
    %add3A_242 = arith.constant 80 : i32
    %add3A_243 = arith.addi %mul3A_10, %add3A_242 : i32
    %dma_start3A_244 = arith.constant 280 : i32
    %dma_start3A_245 = arith.constant 0 : i32
    %dma_start3A_246 = tpu.memref_slice %arg9[%dma_start3A_244, %dma_start3A_245] : memref<320x128xf32, #tpu.memory_space<vmem>> -> memref<40x128xf32, #tpu.memory_space<vmem>>
    %dma_start3A_247 = arith.constant 0 : i32
    %dma_start3A_248 = tpu.memref_slice %arg10[%add3A_243, %dma_start3A_247] : memref<10240x128xf32, #tpu.memory_space<vmem_shared>> -> memref<40x128xf32, #tpu.memory_space<vmem_shared>>
    %dma_start3A_249 = arith.constant 0 : i32
    %dma_start3A_250 = tpu.memref_slice %arg10[%add3A_243, %dma_start3A_249] : memref<10240x128xf32, #tpu.memory_space<vmem_shared>> -> memref<40x128xf32, #tpu.memory_space<vmem_shared>>
    %dma_start3A_251 = arith.constant 280 : i32
    %dma_start3A_252 = arith.constant 0 : i32
    %dma_start3A_253 = tpu.memref_slice %arg9[%dma_start3A_251, %dma_start3A_252] : memref<320x128xf32, #tpu.memory_space<vmem>> -> memref<40x128xf32, #tpu.memory_space<vmem>>
    tpu.enqueue_dma source(%dma_start3A_253 : memref<40x128xf32, #tpu.memory_space<vmem>>) target(%dma_start3A_250 : memref<40x128xf32, #tpu.memory_space<vmem_shared>>) target_semaphore(%arg14 : memref<!tpu.dma_semaphore, #tpu.memory_space<semaphore_mem>>)
    %add3A_254 = arith.constant 120 : i32
    %add3A_255 = arith.addi %mul3A_10, %add3A_254 : i32
    %dma_start3A_256 = arith.constant 280 : i32
    %dma_start3A_257 = arith.constant 0 : i32
    %dma_start3A_258 = tpu.memref_slice %arg9[%dma_start3A_256, %dma_start3A_257] : memref<320x128xf32, #tpu.memory_space<vmem>> -> memref<40x128xf32, #tpu.memory_space<vmem>>
    %dma_start3A_259 = arith.constant 0 : i32
    %dma_start3A_260 = tpu.memref_slice %arg10[%add3A_255, %dma_start3A_259] : memref<10240x128xf32, #tpu.memory_space<vmem_shared>> -> memref<40x128xf32, #tpu.memory_space<vmem_shared>>
    %dma_start3A_261 = arith.constant 0 : i32
    %dma_start3A_262 = tpu.memref_slice %arg10[%add3A_255, %dma_start3A_261] : memref<10240x128xf32, #tpu.memory_space<vmem_shared>> -> memref<40x128xf32, #tpu.memory_space<vmem_shared>>
    %dma_start3A_263 = arith.constant 280 : i32
    %dma_start3A_264 = arith.constant 0 : i32
    %dma_start3A_265 = tpu.memref_slice %arg9[%dma_start3A_263, %dma_start3A_264] : memref<320x128xf32, #tpu.memory_space<vmem>> -> memref<40x128xf32, #tpu.memory_space<vmem>>
    tpu.enqueue_dma source(%dma_start3A_265 : memref<40x128xf32, #tpu.memory_space<vmem>>) target(%dma_start3A_262 : memref<40x128xf32, #tpu.memory_space<vmem_shared>>) target_semaphore(%arg14 : memref<!tpu.dma_semaphore, #tpu.memory_space<semaphore_mem>>)
    %add3A_266 = arith.constant 0 : i32
    %add3A_267 = arith.addi %mul3A_10, %add3A_266 : i32
    %dma_wait3A = arith.constant 280 : i32
    %dma_wait3A_268 = arith.constant 0 : i32
    %dma_wait3A_269 = tpu.memref_slice %arg9[%dma_wait3A, %dma_wait3A_268] : memref<320x128xf32, #tpu.memory_space<vmem>> -> memref<40x128xf32, #tpu.memory_space<vmem>>
    %dma_wait3A_270 = arith.constant 0 : i32
    %dma_wait3A_271 = tpu.memref_slice %arg10[%add3A_267, %dma_wait3A_270] : memref<10240x128xf32, #tpu.memory_space<vmem_shared>> -> memref<40x128xf32, #tpu.memory_space<vmem_shared>>
    %dma_wait3A_272 = arith.constant 0 : i32
    %dma_wait3A_273 = tpu.memref_slice %arg10[%add3A_267, %dma_wait3A_272] : memref<10240x128xf32, #tpu.memory_space<vmem_shared>> -> memref<40x128xf32, #tpu.memory_space<vmem_shared>>
    %dma_wait3A_274 = arith.constant 280 : i32
    %dma_wait3A_275 = arith.constant 0 : i32
    %dma_wait3A_276 = tpu.memref_slice %arg9[%dma_wait3A_274, %dma_wait3A_275] : memref<320x128xf32, #tpu.memory_space<vmem>> -> memref<40x128xf32, #tpu.memory_space<vmem>>
    tpu.wait_dma2 semaphore(%arg14 : memref<!tpu.dma_semaphore, #tpu.memory_space<semaphore_mem>>) src(%dma_wait3A_276 : memref<40x128xf32, #tpu.memory_space<vmem>>) dst(%dma_wait3A_273 : memref<40x128xf32, #tpu.memory_space<vmem_shared>>)
    %add3A_277 = arith.constant 40 : i32
    %add3A_278 = arith.addi %mul3A_10, %add3A_277 : i32
    %dma_wait3A_279 = arith.constant 280 : i32
    %dma_wait3A_280 = arith.constant 0 : i32
    %dma_wait3A_281 = tpu.memref_slice %arg9[%dma_wait3A_279, %dma_wait3A_280] : memref<320x128xf32, #tpu.memory_space<vmem>> -> memref<40x128xf32, #tpu.memory_space<vmem>>
    %dma_wait3A_282 = arith.constant 0 : i32
    %dma_wait3A_283 = tpu.memref_slice %arg10[%add3A_278, %dma_wait3A_282] : memref<10240x128xf32, #tpu.memory_space<vmem_shared>> -> memref<40x128xf32, #tpu.memory_space<vmem_shared>>
    %dma_wait3A_284 = arith.constant 0 : i32
    %dma_wait3A_285 = tpu.memref_slice %arg10[%add3A_278, %dma_wait3A_284] : memref<10240x128xf32, #tpu.memory_space<vmem_shared>> -> memref<40x128xf32, #tpu.memory_space<vmem_shared>>
    %dma_wait3A_286 = arith.constant 280 : i32
    %dma_wait3A_287 = arith.constant 0 : i32
    %dma_wait3A_288 = tpu.memref_slice %arg9[%dma_wait3A_286, %dma_wait3A_287] : memref<320x128xf32, #tpu.memory_space<vmem>> -> memref<40x128xf32, #tpu.memory_space<vmem>>
    tpu.wait_dma2 semaphore(%arg14 : memref<!tpu.dma_semaphore, #tpu.memory_space<semaphore_mem>>) src(%dma_wait3A_288 : memref<40x128xf32, #tpu.memory_space<vmem>>) dst(%dma_wait3A_285 : memref<40x128xf32, #tpu.memory_space<vmem_shared>>)
    %add3A_289 = arith.constant 80 : i32
    %add3A_290 = arith.addi %mul3A_10, %add3A_289 : i32
    %dma_wait3A_291 = arith.constant 280 : i32
    %dma_wait3A_292 = arith.constant 0 : i32
    %dma_wait3A_293 = tpu.memref_slice %arg9[%dma_wait3A_291, %dma_wait3A_292] : memref<320x128xf32, #tpu.memory_space<vmem>> -> memref<40x128xf32, #tpu.memory_space<vmem>>
    %dma_wait3A_294 = arith.constant 0 : i32
    %dma_wait3A_295 = tpu.memref_slice %arg10[%add3A_290, %dma_wait3A_294] : memref<10240x128xf32, #tpu.memory_space<vmem_shared>> -> memref<40x128xf32, #tpu.memory_space<vmem_shared>>
    %dma_wait3A_296 = arith.constant 0 : i32
    %dma_wait3A_297 = tpu.memref_slice %arg10[%add3A_290, %dma_wait3A_296] : memref<10240x128xf32, #tpu.memory_space<vmem_shared>> -> memref<40x128xf32, #tpu.memory_space<vmem_shared>>
    %dma_wait3A_298 = arith.constant 280 : i32
    %dma_wait3A_299 = arith.constant 0 : i32
    %dma_wait3A_300 = tpu.memref_slice %arg9[%dma_wait3A_298, %dma_wait3A_299] : memref<320x128xf32, #tpu.memory_space<vmem>> -> memref<40x128xf32, #tpu.memory_space<vmem>>
    tpu.wait_dma2 semaphore(%arg14 : memref<!tpu.dma_semaphore, #tpu.memory_space<semaphore_mem>>) src(%dma_wait3A_300 : memref<40x128xf32, #tpu.memory_space<vmem>>) dst(%dma_wait3A_297 : memref<40x128xf32, #tpu.memory_space<vmem_shared>>)
    %add3A_301 = arith.constant 120 : i32
    %add3A_302 = arith.addi %mul3A_10, %add3A_301 : i32
    %dma_wait3A_303 = arith.constant 280 : i32
    %dma_wait3A_304 = arith.constant 0 : i32
    %dma_wait3A_305 = tpu.memref_slice %arg9[%dma_wait3A_303, %dma_wait3A_304] : memref<320x128xf32, #tpu.memory_space<vmem>> -> memref<40x128xf32, #tpu.memory_space<vmem>>
    %dma_wait3A_306 = arith.constant 0 : i32
    %dma_wait3A_307 = tpu.memref_slice %arg10[%add3A_302, %dma_wait3A_306] : memref<10240x128xf32, #tpu.memory_space<vmem_shared>> -> memref<40x128xf32, #tpu.memory_space<vmem_shared>>
    %dma_wait3A_308 = arith.constant 0 : i32
    %dma_wait3A_309 = tpu.memref_slice %arg10[%add3A_302, %dma_wait3A_308] : memref<10240x128xf32, #tpu.memory_space<vmem_shared>> -> memref<40x128xf32, #tpu.memory_space<vmem_shared>>
    %dma_wait3A_310 = arith.constant 280 : i32
    %dma_wait3A_311 = arith.constant 0 : i32
    %dma_wait3A_312 = tpu.memref_slice %arg9[%dma_wait3A_310, %dma_wait3A_311] : memref<320x128xf32, #tpu.memory_space<vmem>> -> memref<40x128xf32, #tpu.memory_space<vmem>>
    tpu.wait_dma2 semaphore(%arg14 : memref<!tpu.dma_semaphore, #tpu.memory_space<semaphore_mem>>) src(%dma_wait3A_312 : memref<40x128xf32, #tpu.memory_space<vmem>>) dst(%dma_wait3A_309 : memref<40x128xf32, #tpu.memory_space<vmem_shared>>)
    %add3A_313 = arith.constant 160 : i32
    %add3A_314 = arith.addi %mul3A_10, %add3A_313 : i32
    %dma_start3A_315 = arith.constant 280 : i32
    %dma_start3A_316 = arith.constant 0 : i32
    %dma_start3A_317 = tpu.memref_slice %arg9[%dma_start3A_315, %dma_start3A_316] : memref<320x128xf32, #tpu.memory_space<vmem>> -> memref<40x128xf32, #tpu.memory_space<vmem>>
    %dma_start3A_318 = arith.constant 0 : i32
    %dma_start3A_319 = tpu.memref_slice %arg10[%add3A_314, %dma_start3A_318] : memref<10240x128xf32, #tpu.memory_space<vmem_shared>> -> memref<40x128xf32, #tpu.memory_space<vmem_shared>>
    %dma_start3A_320 = arith.constant 0 : i32
    %dma_start3A_321 = tpu.memref_slice %arg10[%add3A_314, %dma_start3A_320] : memref<10240x128xf32, #tpu.memory_space<vmem_shared>> -> memref<40x128xf32, #tpu.memory_space<vmem_shared>>
    %dma_start3A_322 = arith.constant 280 : i32
    %dma_start3A_323 = arith.constant 0 : i32
    %dma_start3A_324 = tpu.memref_slice %arg9[%dma_start3A_322, %dma_start3A_323] : memref<320x128xf32, #tpu.memory_space<vmem>> -> memref<40x128xf32, #tpu.memory_space<vmem>>
    tpu.enqueue_dma source(%dma_start3A_324 : memref<40x128xf32, #tpu.memory_space<vmem>>) target(%dma_start3A_321 : memref<40x128xf32, #tpu.memory_space<vmem_shared>>) target_semaphore(%arg14 : memref<!tpu.dma_semaphore, #tpu.memory_space<semaphore_mem>>)
    %add3A_325 = arith.constant 200 : i32
    %add3A_326 = arith.addi %mul3A_10, %add3A_325 : i32
    %dma_start3A_327 = arith.constant 280 : i32
    %dma_start3A_328 = arith.constant 0 : i32
    %dma_start3A_329 = tpu.memref_slice %arg9[%dma_start3A_327, %dma_start3A_328] : memref<320x128xf32, #tpu.memory_space<vmem>> -> memref<40x128xf32, #tpu.memory_space<vmem>>
    %dma_start3A_330 = arith.constant 0 : i32
    %dma_start3A_331 = tpu.memref_slice %arg10[%add3A_326, %dma_start3A_330] : memref<10240x128xf32, #tpu.memory_space<vmem_shared>> -> memref<40x128xf32, #tpu.memory_space<vmem_shared>>
    %dma_start3A_332 = arith.constant 0 : i32
    %dma_start3A_333 = tpu.memref_slice %arg10[%add3A_326, %dma_start3A_332] : memref<10240x128xf32, #tpu.memory_space<vmem_shared>> -> memref<40x128xf32, #tpu.memory_space<vmem_shared>>
    %dma_start3A_334 = arith.constant 280 : i32
    %dma_start3A_335 = arith.constant 0 : i32
    %dma_start3A_336 = tpu.memref_slice %arg9[%dma_start3A_334, %dma_start3A_335] : memref<320x128xf32, #tpu.memory_space<vmem>> -> memref<40x128xf32, #tpu.memory_space<vmem>>
    tpu.enqueue_dma source(%dma_start3A_336 : memref<40x128xf32, #tpu.memory_space<vmem>>) target(%dma_start3A_333 : memref<40x128xf32, #tpu.memory_space<vmem_shared>>) target_semaphore(%arg14 : memref<!tpu.dma_semaphore, #tpu.memory_space<semaphore_mem>>)
    %add3A_337 = arith.constant 240 : i32
    %add3A_338 = arith.addi %mul3A_10, %add3A_337 : i32
    %dma_start3A_339 = arith.constant 280 : i32
    %dma_start3A_340 = arith.constant 0 : i32
    %dma_start3A_341 = tpu.memref_slice %arg9[%dma_start3A_339, %dma_start3A_340] : memref<320x128xf32, #tpu.memory_space<vmem>> -> memref<40x128xf32, #tpu.memory_space<vmem>>
    %dma_start3A_342 = arith.constant 0 : i32
    %dma_start3A_343 = tpu.memref_slice %arg10[%add3A_338, %dma_start3A_342] : memref<10240x128xf32, #tpu.memory_space<vmem_shared>> -> memref<40x128xf32, #tpu.memory_space<vmem_shared>>
    %dma_start3A_344 = arith.constant 0 : i32
    %dma_start3A_345 = tpu.memref_slice %arg10[%add3A_338, %dma_start3A_344] : memref<10240x128xf32, #tpu.memory_space<vmem_shared>> -> memref<40x128xf32, #tpu.memory_space<vmem_shared>>
    %dma_start3A_346 = arith.constant 280 : i32
    %dma_start3A_347 = arith.constant 0 : i32
    %dma_start3A_348 = tpu.memref_slice %arg9[%dma_start3A_346, %dma_start3A_347] : memref<320x128xf32, #tpu.memory_space<vmem>> -> memref<40x128xf32, #tpu.memory_space<vmem>>
    tpu.enqueue_dma source(%dma_start3A_348 : memref<40x128xf32, #tpu.memory_space<vmem>>) target(%dma_start3A_345 : memref<40x128xf32, #tpu.memory_space<vmem_shared>>) target_semaphore(%arg14 : memref<!tpu.dma_semaphore, #tpu.memory_space<semaphore_mem>>)
    %add3A_349 = arith.constant 280 : i32
    %add3A_350 = arith.addi %mul3A_10, %add3A_349 : i32
    %dma_start3A_351 = arith.constant 280 : i32
    %dma_start3A_352 = arith.constant 0 : i32
    %dma_start3A_353 = tpu.memref_slice %arg9[%dma_start3A_351, %dma_start3A_352] : memref<320x128xf32, #tpu.memory_space<vmem>> -> memref<40x128xf32, #tpu.memory_space<vmem>>
    %dma_start3A_354 = arith.constant 0 : i32
    %dma_start3A_355 = tpu.memref_slice %arg10[%add3A_350, %dma_start3A_354] : memref<10240x128xf32, #tpu.memory_space<vmem_shared>> -> memref<40x128xf32, #tpu.memory_space<vmem_shared>>
    %dma_start3A_356 = arith.constant 0 : i32
    %dma_start3A_357 = tpu.memref_slice %arg10[%add3A_350, %dma_start3A_356] : memref<10240x128xf32, #tpu.memory_space<vmem_shared>> -> memref<40x128xf32, #tpu.memory_space<vmem_shared>>
    %dma_start3A_358 = arith.constant 280 : i32
    %dma_start3A_359 = arith.constant 0 : i32
    %dma_start3A_360 = tpu.memref_slice %arg9[%dma_start3A_358, %dma_start3A_359] : memref<320x128xf32, #tpu.memory_space<vmem>> -> memref<40x128xf32, #tpu.memory_space<vmem>>
    tpu.enqueue_dma source(%dma_start3A_360 : memref<40x128xf32, #tpu.memory_space<vmem>>) target(%dma_start3A_357 : memref<40x128xf32, #tpu.memory_space<vmem_shared>>) target_semaphore(%arg14 : memref<!tpu.dma_semaphore, #tpu.memory_space<semaphore_mem>>)
    %add3A_361 = arith.constant 160 : i32
    %add3A_362 = arith.addi %mul3A_10, %add3A_361 : i32
    %dma_wait3A_363 = arith.constant 280 : i32
    %dma_wait3A_364 = arith.constant 0 : i32
    %dma_wait3A_365 = tpu.memref_slice %arg9[%dma_wait3A_363, %dma_wait3A_364] : memref<320x128xf32, #tpu.memory_space<vmem>> -> memref<40x128xf32, #tpu.memory_space<vmem>>
    %dma_wait3A_366 = arith.constant 0 : i32
    %dma_wait3A_367 = tpu.memref_slice %arg10[%add3A_362, %dma_wait3A_366] : memref<10240x128xf32, #tpu.memory_space<vmem_shared>> -> memref<40x128xf32, #tpu.memory_space<vmem_shared>>
    %dma_wait3A_368 = arith.constant 0 : i32
    %dma_wait3A_369 = tpu.memref_slice %arg10[%add3A_362, %dma_wait3A_368] : memref<10240x128xf32, #tpu.memory_space<vmem_shared>> -> memref<40x128xf32, #tpu.memory_space<vmem_shared>>
    %dma_wait3A_370 = arith.constant 280 : i32
    %dma_wait3A_371 = arith.constant 0 : i32
    %dma_wait3A_372 = tpu.memref_slice %arg9[%dma_wait3A_370, %dma_wait3A_371] : memref<320x128xf32, #tpu.memory_space<vmem>> -> memref<40x128xf32, #tpu.memory_space<vmem>>
    tpu.wait_dma2 semaphore(%arg14 : memref<!tpu.dma_semaphore, #tpu.memory_space<semaphore_mem>>) src(%dma_wait3A_372 : memref<40x128xf32, #tpu.memory_space<vmem>>) dst(%dma_wait3A_369 : memref<40x128xf32, #tpu.memory_space<vmem_shared>>)
    %add3A_373 = arith.constant 200 : i32
    %add3A_374 = arith.addi %mul3A_10, %add3A_373 : i32
    %dma_wait3A_375 = arith.constant 280 : i32
    %dma_wait3A_376 = arith.constant 0 : i32
    %dma_wait3A_377 = tpu.memref_slice %arg9[%dma_wait3A_375, %dma_wait3A_376] : memref<320x128xf32, #tpu.memory_space<vmem>> -> memref<40x128xf32, #tpu.memory_space<vmem>>
    %dma_wait3A_378 = arith.constant 0 : i32
    %dma_wait3A_379 = tpu.memref_slice %arg10[%add3A_374, %dma_wait3A_378] : memref<10240x128xf32, #tpu.memory_space<vmem_shared>> -> memref<40x128xf32, #tpu.memory_space<vmem_shared>>
    %dma_wait3A_380 = arith.constant 0 : i32
    %dma_wait3A_381 = tpu.memref_slice %arg10[%add3A_374, %dma_wait3A_380] : memref<10240x128xf32, #tpu.memory_space<vmem_shared>> -> memref<40x128xf32, #tpu.memory_space<vmem_shared>>
    %dma_wait3A_382 = arith.constant 280 : i32
    %dma_wait3A_383 = arith.constant 0 : i32
    %dma_wait3A_384 = tpu.memref_slice %arg9[%dma_wait3A_382, %dma_wait3A_383] : memref<320x128xf32, #tpu.memory_space<vmem>> -> memref<40x128xf32, #tpu.memory_space<vmem>>
    tpu.wait_dma2 semaphore(%arg14 : memref<!tpu.dma_semaphore, #tpu.memory_space<semaphore_mem>>) src(%dma_wait3A_384 : memref<40x128xf32, #tpu.memory_space<vmem>>) dst(%dma_wait3A_381 : memref<40x128xf32, #tpu.memory_space<vmem_shared>>)
    %add3A_385 = arith.constant 240 : i32
    %add3A_386 = arith.addi %mul3A_10, %add3A_385 : i32
    %dma_wait3A_387 = arith.constant 280 : i32
    %dma_wait3A_388 = arith.constant 0 : i32
    %dma_wait3A_389 = tpu.memref_slice %arg9[%dma_wait3A_387, %dma_wait3A_388] : memref<320x128xf32, #tpu.memory_space<vmem>> -> memref<40x128xf32, #tpu.memory_space<vmem>>
    %dma_wait3A_390 = arith.constant 0 : i32
    %dma_wait3A_391 = tpu.memref_slice %arg10[%add3A_386, %dma_wait3A_390] : memref<10240x128xf32, #tpu.memory_space<vmem_shared>> -> memref<40x128xf32, #tpu.memory_space<vmem_shared>>
    %dma_wait3A_392 = arith.constant 0 : i32
    %dma_wait3A_393 = tpu.memref_slice %arg10[%add3A_386, %dma_wait3A_392] : memref<10240x128xf32, #tpu.memory_space<vmem_shared>> -> memref<40x128xf32, #tpu.memory_space<vmem_shared>>
    %dma_wait3A_394 = arith.constant 280 : i32
    %dma_wait3A_395 = arith.constant 0 : i32
    %dma_wait3A_396 = tpu.memref_slice %arg9[%dma_wait3A_394, %dma_wait3A_395] : memref<320x128xf32, #tpu.memory_space<vmem>> -> memref<40x128xf32, #tpu.memory_space<vmem>>
    tpu.wait_dma2 semaphore(%arg14 : memref<!tpu.dma_semaphore, #tpu.memory_space<semaphore_mem>>) src(%dma_wait3A_396 : memref<40x128xf32, #tpu.memory_space<vmem>>) dst(%dma_wait3A_393 : memref<40x128xf32, #tpu.memory_space<vmem_shared>>)
    %add3A_397 = arith.constant 280 : i32
    %add3A_398 = arith.addi %mul3A_10, %add3A_397 : i32
    %dma_wait3A_399 = arith.constant 280 : i32
    %dma_wait3A_400 = arith.constant 0 : i32
    %dma_wait3A_401 = tpu.memref_slice %arg9[%dma_wait3A_399, %dma_wait3A_400] : memref<320x128xf32, #tpu.memory_space<vmem>> -> memref<40x128xf32, #tpu.memory_space<vmem>>
    %dma_wait3A_402 = arith.constant 0 : i32
    %dma_wait3A_403 = tpu.memref_slice %arg10[%add3A_398, %dma_wait3A_402] : memref<10240x128xf32, #tpu.memory_space<vmem_shared>> -> memref<40x128xf32, #tpu.memory_space<vmem_shared>>
    %dma_wait3A_404 = arith.constant 0 : i32
    %dma_wait3A_405 = tpu.memref_slice %arg10[%add3A_398, %dma_wait3A_404] : memref<10240x128xf32, #tpu.memory_space<vmem_shared>> -> memref<40x128xf32, #tpu.memory_space<vmem_shared>>
    %dma_wait3A_406 = arith.constant 280 : i32
    %dma_wait3A_407 = arith.constant 0 : i32
    %dma_wait3A_408 = tpu.memref_slice %arg9[%dma_wait3A_406, %dma_wait3A_407] : memref<320x128xf32, #tpu.memory_space<vmem>> -> memref<40x128xf32, #tpu.memory_space<vmem>>
    tpu.wait_dma2 semaphore(%arg14 : memref<!tpu.dma_semaphore, #tpu.memory_space<semaphore_mem>>) src(%dma_wait3A_408 : memref<40x128xf32, #tpu.memory_space<vmem>>) dst(%dma_wait3A_405 : memref<40x128xf32, #tpu.memory_space<vmem_shared>>)
    %add3A_409 = arith.constant 320 : i32
    %add3A_410 = arith.addi %mul3A_10, %add3A_409 : i32
    %dma_start3A_411 = arith.constant 280 : i32
    %dma_start3A_412 = arith.constant 0 : i32
    %dma_start3A_413 = tpu.memref_slice %arg9[%dma_start3A_411, %dma_start3A_412] : memref<320x128xf32, #tpu.memory_space<vmem>> -> memref<40x128xf32, #tpu.memory_space<vmem>>
    %dma_start3A_414 = arith.constant 0 : i32
    %dma_start3A_415 = tpu.memref_slice %arg10[%add3A_410, %dma_start3A_414] : memref<10240x128xf32, #tpu.memory_space<vmem_shared>> -> memref<40x128xf32, #tpu.memory_space<vmem_shared>>
    %dma_start3A_416 = arith.constant 0 : i32
    %dma_start3A_417 = tpu.memref_slice %arg10[%add3A_410, %dma_start3A_416] : memref<10240x128xf32, #tpu.memory_space<vmem_shared>> -> memref<40x128xf32, #tpu.memory_space<vmem_shared>>
    %dma_start3A_418 = arith.constant 280 : i32
    %dma_start3A_419 = arith.constant 0 : i32
    %dma_start3A_420 = tpu.memref_slice %arg9[%dma_start3A_418, %dma_start3A_419] : memref<320x128xf32, #tpu.memory_space<vmem>> -> memref<40x128xf32, #tpu.memory_space<vmem>>
    tpu.enqueue_dma source(%dma_start3A_420 : memref<40x128xf32, #tpu.memory_space<vmem>>) target(%dma_start3A_417 : memref<40x128xf32, #tpu.memory_space<vmem_shared>>) target_semaphore(%arg14 : memref<!tpu.dma_semaphore, #tpu.memory_space<semaphore_mem>>)
    %add3A_421 = arith.constant 360 : i32
    %add3A_422 = arith.addi %mul3A_10, %add3A_421 : i32
    %dma_start3A_423 = arith.constant 280 : i32
    %dma_start3A_424 = arith.constant 0 : i32
    %dma_start3A_425 = tpu.memref_slice %arg9[%dma_start3A_423, %dma_start3A_424] : memref<320x128xf32, #tpu.memory_space<vmem>> -> memref<40x128xf32, #tpu.memory_space<vmem>>
    %dma_start3A_426 = arith.constant 0 : i32
    %dma_start3A_427 = tpu.memref_slice %arg10[%add3A_422, %dma_start3A_426] : memref<10240x128xf32, #tpu.memory_space<vmem_shared>> -> memref<40x128xf32, #tpu.memory_space<vmem_shared>>
    %dma_start3A_428 = arith.constant 0 : i32
    %dma_start3A_429 = tpu.memref_slice %arg10[%add3A_422, %dma_start3A_428] : memref<10240x128xf32, #tpu.memory_space<vmem_shared>> -> memref<40x128xf32, #tpu.memory_space<vmem_shared>>
    %dma_start3A_430 = arith.constant 280 : i32
    %dma_start3A_431 = arith.constant 0 : i32
    %dma_start3A_432 = tpu.memref_slice %arg9[%dma_start3A_430, %dma_start3A_431] : memref<320x128xf32, #tpu.memory_space<vmem>> -> memref<40x128xf32, #tpu.memory_space<vmem>>
    tpu.enqueue_dma source(%dma_start3A_432 : memref<40x128xf32, #tpu.memory_space<vmem>>) target(%dma_start3A_429 : memref<40x128xf32, #tpu.memory_space<vmem_shared>>) target_semaphore(%arg14 : memref<!tpu.dma_semaphore, #tpu.memory_space<semaphore_mem>>)
    %add3A_433 = arith.constant 400 : i32
    %add3A_434 = arith.addi %mul3A_10, %add3A_433 : i32
    %dma_start3A_435 = arith.constant 280 : i32
    %dma_start3A_436 = arith.constant 0 : i32
    %dma_start3A_437 = tpu.memref_slice %arg9[%dma_start3A_435, %dma_start3A_436] : memref<320x128xf32, #tpu.memory_space<vmem>> -> memref<40x128xf32, #tpu.memory_space<vmem>>
    %dma_start3A_438 = arith.constant 0 : i32
    %dma_start3A_439 = tpu.memref_slice %arg10[%add3A_434, %dma_start3A_438] : memref<10240x128xf32, #tpu.memory_space<vmem_shared>> -> memref<40x128xf32, #tpu.memory_space<vmem_shared>>
    %dma_start3A_440 = arith.constant 0 : i32
    %dma_start3A_441 = tpu.memref_slice %arg10[%add3A_434, %dma_start3A_440] : memref<10240x128xf32, #tpu.memory_space<vmem_shared>> -> memref<40x128xf32, #tpu.memory_space<vmem_shared>>
    %dma_start3A_442 = arith.constant 280 : i32
    %dma_start3A_443 = arith.constant 0 : i32
    %dma_start3A_444 = tpu.memref_slice %arg9[%dma_start3A_442, %dma_start3A_443] : memref<320x128xf32, #tpu.memory_space<vmem>> -> memref<40x128xf32, #tpu.memory_space<vmem>>
    tpu.enqueue_dma source(%dma_start3A_444 : memref<40x128xf32, #tpu.memory_space<vmem>>) target(%dma_start3A_441 : memref<40x128xf32, #tpu.memory_space<vmem_shared>>) target_semaphore(%arg14 : memref<!tpu.dma_semaphore, #tpu.memory_space<semaphore_mem>>)
    %add3A_445 = arith.constant 440 : i32
    %add3A_446 = arith.addi %mul3A_10, %add3A_445 : i32
    %dma_start3A_447 = arith.constant 280 : i32
    %dma_start3A_448 = arith.constant 0 : i32
    %dma_start3A_449 = tpu.memref_slice %arg9[%dma_start3A_447, %dma_start3A_448] : memref<320x128xf32, #tpu.memory_space<vmem>> -> memref<40x128xf32, #tpu.memory_space<vmem>>
    %dma_start3A_450 = arith.constant 0 : i32
    %dma_start3A_451 = tpu.memref_slice %arg10[%add3A_446, %dma_start3A_450] : memref<10240x128xf32, #tpu.memory_space<vmem_shared>> -> memref<40x128xf32, #tpu.memory_space<vmem_shared>>
    %dma_start3A_452 = arith.constant 0 : i32
    %dma_start3A_453 = tpu.memref_slice %arg10[%add3A_446, %dma_start3A_452] : memref<10240x128xf32, #tpu.memory_space<vmem_shared>> -> memref<40x128xf32, #tpu.memory_space<vmem_shared>>
    %dma_start3A_454 = arith.constant 280 : i32
    %dma_start3A_455 = arith.constant 0 : i32
    %dma_start3A_456 = tpu.memref_slice %arg9[%dma_start3A_454, %dma_start3A_455] : memref<320x128xf32, #tpu.memory_space<vmem>> -> memref<40x128xf32, #tpu.memory_space<vmem>>
    tpu.enqueue_dma source(%dma_start3A_456 : memref<40x128xf32, #tpu.memory_space<vmem>>) target(%dma_start3A_453 : memref<40x128xf32, #tpu.memory_space<vmem_shared>>) target_semaphore(%arg14 : memref<!tpu.dma_semaphore, #tpu.memory_space<semaphore_mem>>)
    %add3A_457 = arith.constant 320 : i32
    %add3A_458 = arith.addi %mul3A_10, %add3A_457 : i32
    %dma_wait3A_459 = arith.constant 280 : i32
    %dma_wait3A_460 = arith.constant 0 : i32
    %dma_wait3A_461 = tpu.memref_slice %arg9[%dma_wait3A_459, %dma_wait3A_460] : memref<320x128xf32, #tpu.memory_space<vmem>> -> memref<40x128xf32, #tpu.memory_space<vmem>>
    %dma_wait3A_462 = arith.constant 0 : i32
    %dma_wait3A_463 = tpu.memref_slice %arg10[%add3A_458, %dma_wait3A_462] : memref<10240x128xf32, #tpu.memory_space<vmem_shared>> -> memref<40x128xf32, #tpu.memory_space<vmem_shared>>
    %dma_wait3A_464 = arith.constant 0 : i32
    %dma_wait3A_465 = tpu.memref_slice %arg10[%add3A_458, %dma_wait3A_464] : memref<10240x128xf32, #tpu.memory_space<vmem_shared>> -> memref<40x128xf32, #tpu.memory_space<vmem_shared>>
    %dma_wait3A_466 = arith.constant 280 : i32
    %dma_wait3A_467 = arith.constant 0 : i32
    %dma_wait3A_468 = tpu.memref_slice %arg9[%dma_wait3A_466, %dma_wait3A_467] : memref<320x128xf32, #tpu.memory_space<vmem>> -> memref<40x128xf32, #tpu.memory_space<vmem>>
    tpu.wait_dma2 semaphore(%arg14 : memref<!tpu.dma_semaphore, #tpu.memory_space<semaphore_mem>>) src(%dma_wait3A_468 : memref<40x128xf32, #tpu.memory_space<vmem>>) dst(%dma_wait3A_465 : memref<40x128xf32, #tpu.memory_space<vmem_shared>>)
    %add3A_469 = arith.constant 360 : i32
    %add3A_470 = arith.addi %mul3A_10, %add3A_469 : i32
    %dma_wait3A_471 = arith.constant 280 : i32
    %dma_wait3A_472 = arith.constant 0 : i32
    %dma_wait3A_473 = tpu.memref_slice %arg9[%dma_wait3A_471, %dma_wait3A_472] : memref<320x128xf32, #tpu.memory_space<vmem>> -> memref<40x128xf32, #tpu.memory_space<vmem>>
    %dma_wait3A_474 = arith.constant 0 : i32
    %dma_wait3A_475 = tpu.memref_slice %arg10[%add3A_470, %dma_wait3A_474] : memref<10240x128xf32, #tpu.memory_space<vmem_shared>> -> memref<40x128xf32, #tpu.memory_space<vmem_shared>>
    %dma_wait3A_476 = arith.constant 0 : i32
    %dma_wait3A_477 = tpu.memref_slice %arg10[%add3A_470, %dma_wait3A_476] : memref<10240x128xf32, #tpu.memory_space<vmem_shared>> -> memref<40x128xf32, #tpu.memory_space<vmem_shared>>
    %dma_wait3A_478 = arith.constant 280 : i32
    %dma_wait3A_479 = arith.constant 0 : i32
    %dma_wait3A_480 = tpu.memref_slice %arg9[%dma_wait3A_478, %dma_wait3A_479] : memref<320x128xf32, #tpu.memory_space<vmem>> -> memref<40x128xf32, #tpu.memory_space<vmem>>
    tpu.wait_dma2 semaphore(%arg14 : memref<!tpu.dma_semaphore, #tpu.memory_space<semaphore_mem>>) src(%dma_wait3A_480 : memref<40x128xf32, #tpu.memory_space<vmem>>) dst(%dma_wait3A_477 : memref<40x128xf32, #tpu.memory_space<vmem_shared>>)
    %add3A_481 = arith.constant 400 : i32
    %add3A_482 = arith.addi %mul3A_10, %add3A_481 : i32
    %dma_wait3A_483 = arith.constant 280 : i32
    %dma_wait3A_484 = arith.constant 0 : i32
    %dma_wait3A_485 = tpu.memref_slice %arg9[%dma_wait3A_483, %dma_wait3A_484] : memref<320x128xf32, #tpu.memory_space<vmem>> -> memref<40x128xf32, #tpu.memory_space<vmem>>
    %dma_wait3A_486 = arith.constant 0 : i32
    %dma_wait3A_487 = tpu.memref_slice %arg10[%add3A_482, %dma_wait3A_486] : memref<10240x128xf32, #tpu.memory_space<vmem_shared>> -> memref<40x128xf32, #tpu.memory_space<vmem_shared>>
    %dma_wait3A_488 = arith.constant 0 : i32
    %dma_wait3A_489 = tpu.memref_slice %arg10[%add3A_482, %dma_wait3A_488] : memref<10240x128xf32, #tpu.memory_space<vmem_shared>> -> memref<40x128xf32, #tpu.memory_space<vmem_shared>>
    %dma_wait3A_490 = arith.constant 280 : i32
    %dma_wait3A_491 = arith.constant 0 : i32
    %dma_wait3A_492 = tpu.memref_slice %arg9[%dma_wait3A_490, %dma_wait3A_491] : memref<320x128xf32, #tpu.memory_space<vmem>> -> memref<40x128xf32, #tpu.memory_space<vmem>>
    tpu.wait_dma2 semaphore(%arg14 : memref<!tpu.dma_semaphore, #tpu.memory_space<semaphore_mem>>) src(%dma_wait3A_492 : memref<40x128xf32, #tpu.memory_space<vmem>>) dst(%dma_wait3A_489 : memref<40x128xf32, #tpu.memory_space<vmem_shared>>)
    %add3A_493 = arith.constant 440 : i32
    %add3A_494 = arith.addi %mul3A_10, %add3A_493 : i32
    %dma_wait3A_495 = arith.constant 280 : i32
    %dma_wait3A_496 = arith.constant 0 : i32
    %dma_wait3A_497 = tpu.memref_slice %arg9[%dma_wait3A_495, %dma_wait3A_496] : memref<320x128xf32, #tpu.memory_space<vmem>> -> memref<40x128xf32, #tpu.memory_space<vmem>>
    %dma_wait3A_498 = arith.constant 0 : i32
    %dma_wait3A_499 = tpu.memref_slice %arg10[%add3A_494, %dma_wait3A_498] : memref<10240x128xf32, #tpu.memory_space<vmem_shared>> -> memref<40x128xf32, #tpu.memory_space<vmem_shared>>
    %dma_wait3A_500 = arith.constant 0 : i32
    %dma_wait3A_501 = tpu.memref_slice %arg10[%add3A_494, %dma_wait3A_500] : memref<10240x128xf32, #tpu.memory_space<vmem_shared>> -> memref<40x128xf32, #tpu.memory_space<vmem_shared>>
    %dma_wait3A_502 = arith.constant 280 : i32
    %dma_wait3A_503 = arith.constant 0 : i32
    %dma_wait3A_504 = tpu.memref_slice %arg9[%dma_wait3A_502, %dma_wait3A_503] : memref<320x128xf32, #tpu.memory_space<vmem>> -> memref<40x128xf32, #tpu.memory_space<vmem>>
    tpu.wait_dma2 semaphore(%arg14 : memref<!tpu.dma_semaphore, #tpu.memory_space<semaphore_mem>>) src(%dma_wait3A_504 : memref<40x128xf32, #tpu.memory_space<vmem>>) dst(%dma_wait3A_501 : memref<40x128xf32, #tpu.memory_space<vmem_shared>>)
    %add3A_505 = arith.constant 480 : i32
    %add3A_506 = arith.addi %mul3A_10, %add3A_505 : i32
    %dma_start3A_507 = arith.constant 280 : i32
    %dma_start3A_508 = arith.constant 0 : i32
    %dma_start3A_509 = tpu.memref_slice %arg9[%dma_start3A_507, %dma_start3A_508] : memref<320x128xf32, #tpu.memory_space<vmem>> -> memref<40x128xf32, #tpu.memory_space<vmem>>
    %dma_start3A_510 = arith.constant 0 : i32
    %dma_start3A_511 = tpu.memref_slice %arg10[%add3A_506, %dma_start3A_510] : memref<10240x128xf32, #tpu.memory_space<vmem_shared>> -> memref<40x128xf32, #tpu.memory_space<vmem_shared>>
    %dma_start3A_512 = arith.constant 0 : i32
    %dma_start3A_513 = tpu.memref_slice %arg10[%add3A_506, %dma_start3A_512] : memref<10240x128xf32, #tpu.memory_space<vmem_shared>> -> memref<40x128xf32, #tpu.memory_space<vmem_shared>>
    %dma_start3A_514 = arith.constant 280 : i32
    %dma_start3A_515 = arith.constant 0 : i32
    %dma_start3A_516 = tpu.memref_slice %arg9[%dma_start3A_514, %dma_start3A_515] : memref<320x128xf32, #tpu.memory_space<vmem>> -> memref<40x128xf32, #tpu.memory_space<vmem>>
    tpu.enqueue_dma source(%dma_start3A_516 : memref<40x128xf32, #tpu.memory_space<vmem>>) target(%dma_start3A_513 : memref<40x128xf32, #tpu.memory_space<vmem_shared>>) target_semaphore(%arg14 : memref<!tpu.dma_semaphore, #tpu.memory_space<semaphore_mem>>)
    %add3A_517 = arith.constant 520 : i32
    %add3A_518 = arith.addi %mul3A_10, %add3A_517 : i32
    %dma_start3A_519 = arith.constant 280 : i32
    %dma_start3A_520 = arith.constant 0 : i32
    %dma_start3A_521 = tpu.memref_slice %arg9[%dma_start3A_519, %dma_start3A_520] : memref<320x128xf32, #tpu.memory_space<vmem>> -> memref<40x128xf32, #tpu.memory_space<vmem>>
    %dma_start3A_522 = arith.constant 0 : i32
    %dma_start3A_523 = tpu.memref_slice %arg10[%add3A_518, %dma_start3A_522] : memref<10240x128xf32, #tpu.memory_space<vmem_shared>> -> memref<40x128xf32, #tpu.memory_space<vmem_shared>>
    %dma_start3A_524 = arith.constant 0 : i32
    %dma_start3A_525 = tpu.memref_slice %arg10[%add3A_518, %dma_start3A_524] : memref<10240x128xf32, #tpu.memory_space<vmem_shared>> -> memref<40x128xf32, #tpu.memory_space<vmem_shared>>
    %dma_start3A_526 = arith.constant 280 : i32
    %dma_start3A_527 = arith.constant 0 : i32
    %dma_start3A_528 = tpu.memref_slice %arg9[%dma_start3A_526, %dma_start3A_527] : memref<320x128xf32, #tpu.memory_space<vmem>> -> memref<40x128xf32, #tpu.memory_space<vmem>>
    tpu.enqueue_dma source(%dma_start3A_528 : memref<40x128xf32, #tpu.memory_space<vmem>>) target(%dma_start3A_525 : memref<40x128xf32, #tpu.memory_space<vmem_shared>>) target_semaphore(%arg14 : memref<!tpu.dma_semaphore, #tpu.memory_space<semaphore_mem>>)
    %add3A_529 = arith.constant 560 : i32
    %add3A_530 = arith.addi %mul3A_10, %add3A_529 : i32
    %dma_start3A_531 = arith.constant 280 : i32
    %dma_start3A_532 = arith.constant 0 : i32
    %dma_start3A_533 = tpu.memref_slice %arg9[%dma_start3A_531, %dma_start3A_532] : memref<320x128xf32, #tpu.memory_space<vmem>> -> memref<40x128xf32, #tpu.memory_space<vmem>>
    %dma_start3A_534 = arith.constant 0 : i32
    %dma_start3A_535 = tpu.memref_slice %arg10[%add3A_530, %dma_start3A_534] : memref<10240x128xf32, #tpu.memory_space<vmem_shared>> -> memref<40x128xf32, #tpu.memory_space<vmem_shared>>
    %dma_start3A_536 = arith.constant 0 : i32
    %dma_start3A_537 = tpu.memref_slice %arg10[%add3A_530, %dma_start3A_536] : memref<10240x128xf32, #tpu.memory_space<vmem_shared>> -> memref<40x128xf32, #tpu.memory_space<vmem_shared>>
    %dma_start3A_538 = arith.constant 280 : i32
    %dma_start3A_539 = arith.constant 0 : i32
    %dma_start3A_540 = tpu.memref_slice %arg9[%dma_start3A_538, %dma_start3A_539] : memref<320x128xf32, #tpu.memory_space<vmem>> -> memref<40x128xf32, #tpu.memory_space<vmem>>
    tpu.enqueue_dma source(%dma_start3A_540 : memref<40x128xf32, #tpu.memory_space<vmem>>) target(%dma_start3A_537 : memref<40x128xf32, #tpu.memory_space<vmem_shared>>) target_semaphore(%arg14 : memref<!tpu.dma_semaphore, #tpu.memory_space<semaphore_mem>>)
    %add3A_541 = arith.constant 600 : i32
    %add3A_542 = arith.addi %mul3A_10, %add3A_541 : i32
    %dma_start3A_543 = arith.constant 280 : i32
    %dma_start3A_544 = arith.constant 0 : i32
    %dma_start3A_545 = tpu.memref_slice %arg9[%dma_start3A_543, %dma_start3A_544] : memref<320x128xf32, #tpu.memory_space<vmem>> -> memref<40x128xf32, #tpu.memory_space<vmem>>
    %dma_start3A_546 = arith.constant 0 : i32
    %dma_start3A_547 = tpu.memref_slice %arg10[%add3A_542, %dma_start3A_546] : memref<10240x128xf32, #tpu.memory_space<vmem_shared>> -> memref<40x128xf32, #tpu.memory_space<vmem_shared>>
    %dma_start3A_548 = arith.constant 0 : i32
    %dma_start3A_549 = tpu.memref_slice %arg10[%add3A_542, %dma_start3A_548] : memref<10240x128xf32, #tpu.memory_space<vmem_shared>> -> memref<40x128xf32, #tpu.memory_space<vmem_shared>>
    %dma_start3A_550 = arith.constant 280 : i32
    %dma_start3A_551 = arith.constant 0 : i32
    %dma_start3A_552 = tpu.memref_slice %arg9[%dma_start3A_550, %dma_start3A_551] : memref<320x128xf32, #tpu.memory_space<vmem>> -> memref<40x128xf32, #tpu.memory_space<vmem>>
    tpu.enqueue_dma source(%dma_start3A_552 : memref<40x128xf32, #tpu.memory_space<vmem>>) target(%dma_start3A_549 : memref<40x128xf32, #tpu.memory_space<vmem_shared>>) target_semaphore(%arg14 : memref<!tpu.dma_semaphore, #tpu.memory_space<semaphore_mem>>)
    %add3A_553 = arith.constant 480 : i32
    %add3A_554 = arith.addi %mul3A_10, %add3A_553 : i32
    %dma_wait3A_555 = arith.constant 280 : i32
    %dma_wait3A_556 = arith.constant 0 : i32
    %dma_wait3A_557 = tpu.memref_slice %arg9[%dma_wait3A_555, %dma_wait3A_556] : memref<320x128xf32, #tpu.memory_space<vmem>> -> memref<40x128xf32, #tpu.memory_space<vmem>>
    %dma_wait3A_558 = arith.constant 0 : i32
    %dma_wait3A_559 = tpu.memref_slice %arg10[%add3A_554, %dma_wait3A_558] : memref<10240x128xf32, #tpu.memory_space<vmem_shared>> -> memref<40x128xf32, #tpu.memory_space<vmem_shared>>
    %dma_wait3A_560 = arith.constant 0 : i32
    %dma_wait3A_561 = tpu.memref_slice %arg10[%add3A_554, %dma_wait3A_560] : memref<10240x128xf32, #tpu.memory_space<vmem_shared>> -> memref<40x128xf32, #tpu.memory_space<vmem_shared>>
    %dma_wait3A_562 = arith.constant 280 : i32
    %dma_wait3A_563 = arith.constant 0 : i32
    %dma_wait3A_564 = tpu.memref_slice %arg9[%dma_wait3A_562, %dma_wait3A_563] : memref<320x128xf32, #tpu.memory_space<vmem>> -> memref<40x128xf32, #tpu.memory_space<vmem>>
    tpu.wait_dma2 semaphore(%arg14 : memref<!tpu.dma_semaphore, #tpu.memory_space<semaphore_mem>>) src(%dma_wait3A_564 : memref<40x128xf32, #tpu.memory_space<vmem>>) dst(%dma_wait3A_561 : memref<40x128xf32, #tpu.memory_space<vmem_shared>>)
    %add3A_565 = arith.constant 520 : i32
    %add3A_566 = arith.addi %mul3A_10, %add3A_565 : i32
    %dma_wait3A_567 = arith.constant 280 : i32
    %dma_wait3A_568 = arith.constant 0 : i32
    %dma_wait3A_569 = tpu.memref_slice %arg9[%dma_wait3A_567, %dma_wait3A_568] : memref<320x128xf32, #tpu.memory_space<vmem>> -> memref<40x128xf32, #tpu.memory_space<vmem>>
    %dma_wait3A_570 = arith.constant 0 : i32
    %dma_wait3A_571 = tpu.memref_slice %arg10[%add3A_566, %dma_wait3A_570] : memref<10240x128xf32, #tpu.memory_space<vmem_shared>> -> memref<40x128xf32, #tpu.memory_space<vmem_shared>>
    %dma_wait3A_572 = arith.constant 0 : i32
    %dma_wait3A_573 = tpu.memref_slice %arg10[%add3A_566, %dma_wait3A_572] : memref<10240x128xf32, #tpu.memory_space<vmem_shared>> -> memref<40x128xf32, #tpu.memory_space<vmem_shared>>
    %dma_wait3A_574 = arith.constant 280 : i32
    %dma_wait3A_575 = arith.constant 0 : i32
    %dma_wait3A_576 = tpu.memref_slice %arg9[%dma_wait3A_574, %dma_wait3A_575] : memref<320x128xf32, #tpu.memory_space<vmem>> -> memref<40x128xf32, #tpu.memory_space<vmem>>
    tpu.wait_dma2 semaphore(%arg14 : memref<!tpu.dma_semaphore, #tpu.memory_space<semaphore_mem>>) src(%dma_wait3A_576 : memref<40x128xf32, #tpu.memory_space<vmem>>) dst(%dma_wait3A_573 : memref<40x128xf32, #tpu.memory_space<vmem_shared>>)
    %add3A_577 = arith.constant 560 : i32
    %add3A_578 = arith.addi %mul3A_10, %add3A_577 : i32
    %dma_wait3A_579 = arith.constant 280 : i32
    %dma_wait3A_580 = arith.constant 0 : i32
    %dma_wait3A_581 = tpu.memref_slice %arg9[%dma_wait3A_579, %dma_wait3A_580] : memref<320x128xf32, #tpu.memory_space<vmem>> -> memref<40x128xf32, #tpu.memory_space<vmem>>
    %dma_wait3A_582 = arith.constant 0 : i32
    %dma_wait3A_583 = tpu.memref_slice %arg10[%add3A_578, %dma_wait3A_582] : memref<10240x128xf32, #tpu.memory_space<vmem_shared>> -> memref<40x128xf32, #tpu.memory_space<vmem_shared>>
    %dma_wait3A_584 = arith.constant 0 : i32
    %dma_wait3A_585 = tpu.memref_slice %arg10[%add3A_578, %dma_wait3A_584] : memref<10240x128xf32, #tpu.memory_space<vmem_shared>> -> memref<40x128xf32, #tpu.memory_space<vmem_shared>>
    %dma_wait3A_586 = arith.constant 280 : i32
    %dma_wait3A_587 = arith.constant 0 : i32
    %dma_wait3A_588 = tpu.memref_slice %arg9[%dma_wait3A_586, %dma_wait3A_587] : memref<320x128xf32, #tpu.memory_space<vmem>> -> memref<40x128xf32, #tpu.memory_space<vmem>>
    tpu.wait_dma2 semaphore(%arg14 : memref<!tpu.dma_semaphore, #tpu.memory_space<semaphore_mem>>) src(%dma_wait3A_588 : memref<40x128xf32, #tpu.memory_space<vmem>>) dst(%dma_wait3A_585 : memref<40x128xf32, #tpu.memory_space<vmem_shared>>)
    %add3A_589 = arith.constant 600 : i32
    %add3A_590 = arith.addi %mul3A_10, %add3A_589 : i32
    %dma_wait3A_591 = arith.constant 280 : i32
    %dma_wait3A_592 = arith.constant 0 : i32
    %dma_wait3A_593 = tpu.memref_slice %arg9[%dma_wait3A_591, %dma_wait3A_592] : memref<320x128xf32, #tpu.memory_space<vmem>> -> memref<40x128xf32, #tpu.memory_space<vmem>>
    %dma_wait3A_594 = arith.constant 0 : i32
    %dma_wait3A_595 = tpu.memref_slice %arg10[%add3A_590, %dma_wait3A_594] : memref<10240x128xf32, #tpu.memory_space<vmem_shared>> -> memref<40x128xf32, #tpu.memory_space<vmem_shared>>
    %dma_wait3A_596 = arith.constant 0 : i32
    %dma_wait3A_597 = tpu.memref_slice %arg10[%add3A_590, %dma_wait3A_596] : memref<10240x128xf32, #tpu.memory_space<vmem_shared>> -> memref<40x128xf32, #tpu.memory_space<vmem_shared>>
    %dma_wait3A_598 = arith.constant 280 : i32
    %dma_wait3A_599 = arith.constant 0 : i32
    %dma_wait3A_600 = tpu.memref_slice %arg9[%dma_wait3A_598, %dma_wait3A_599] : memref<320x128xf32, #tpu.memory_space<vmem>> -> memref<40x128xf32, #tpu.memory_space<vmem>>
    tpu.wait_dma2 semaphore(%arg14 : memref<!tpu.dma_semaphore, #tpu.memory_space<semaphore_mem>>) src(%dma_wait3A_600 : memref<40x128xf32, #tpu.memory_space<vmem>>) dst(%dma_wait3A_597 : memref<40x128xf32, #tpu.memory_space<vmem_shared>>)
    %add3A_601 = arith.constant 0 : i32
    %add3A_602 = arith.addi %mul3A_2, %add3A_601 : i32
    %dma_wait3A_603 = arith.constant 0 : i32
    %dma_wait3A_604 = arith.constant 0 : i32
    %dma_wait3A_605 = arith.constant 0 : i32
    %dma_wait3A_606 = tpu.memref_slice %arg7[%dma_wait3A_603, %dma_wait3A_605] : memref<12x40xi32, #tpu.memory_space<vmem>> -> memref<1x40xi32, #tpu.memory_space<vmem>>
    %dma_wait3A_607 = tpu.memref_squeeze %dma_wait3A_606 : memref<1x40xi32, #tpu.memory_space<vmem>> -> memref<40xi32, #tpu.memory_space<vmem>>
    %dma_wait3A_608 = tpu.memref_slice %arg2[%add3A_602] : memref<320000xi32, #tpu.memory_space<hbm>> -> memref<40xi32, #tpu.memory_space<hbm>>
    %dma_wait3A_609 = tpu.memref_slice %arg13[%dma_wait3A_604] : memref<12x!tpu.dma_semaphore, #tpu.memory_space<semaphore_mem>> -> memref<1x!tpu.dma_semaphore, #tpu.memory_space<semaphore_mem>>
    %dma_wait3A_610 = tpu.memref_squeeze %dma_wait3A_609 : memref<1x!tpu.dma_semaphore, #tpu.memory_space<semaphore_mem>> -> memref<!tpu.dma_semaphore, #tpu.memory_space<semaphore_mem>>
    %dma_wait3A_611 = arith.constant 0 : i32
    %dma_wait3A_612 = tpu.memref_slice %arg7[%dma_wait3A_603, %dma_wait3A_611] : memref<12x40xi32, #tpu.memory_space<vmem>> -> memref<1x40xi32, #tpu.memory_space<vmem>>
    %dma_wait3A_613 = tpu.memref_squeeze %dma_wait3A_612 : memref<1x40xi32, #tpu.memory_space<vmem>> -> memref<40xi32, #tpu.memory_space<vmem>>
    %dma_wait3A_614 = tpu.memref_slice %arg2[%add3A_602] : memref<320000xi32, #tpu.memory_space<hbm>> -> memref<40xi32, #tpu.memory_space<hbm>>
    tpu.wait_dma2 semaphore(%dma_wait3A_610 : memref<!tpu.dma_semaphore, #tpu.memory_space<semaphore_mem>>) src(%dma_wait3A_614 : memref<40xi32, #tpu.memory_space<hbm>>) dst(%dma_wait3A_613 : memref<40xi32, #tpu.memory_space<vmem>>)
    %dma_wait3A_615 = arith.constant 0 : i32
    %dma_wait3A_616 = arith.constant 0 : i32
    %dma_wait3A_617 = arith.constant 0 : i32
    %dma_wait3A_618 = tpu.memref_slice %arg8[%dma_wait3A_615, %dma_wait3A_617] : memref<12x40xi32, #tpu.memory_space<vmem>> -> memref<1x40xi32, #tpu.memory_space<vmem>>
    %dma_wait3A_619 = tpu.memref_squeeze %dma_wait3A_618 : memref<1x40xi32, #tpu.memory_space<vmem>> -> memref<40xi32, #tpu.memory_space<vmem>>
    %dma_wait3A_620 = tpu.memref_slice %arg3[%add3A_602] : memref<320000xi32, #tpu.memory_space<hbm>> -> memref<40xi32, #tpu.memory_space<hbm>>
    %dma_wait3A_621 = tpu.memref_slice %arg13[%dma_wait3A_616] : memref<12x!tpu.dma_semaphore, #tpu.memory_space<semaphore_mem>> -> memref<1x!tpu.dma_semaphore, #tpu.memory_space<semaphore_mem>>
    %dma_wait3A_622 = tpu.memref_squeeze %dma_wait3A_621 : memref<1x!tpu.dma_semaphore, #tpu.memory_space<semaphore_mem>> -> memref<!tpu.dma_semaphore, #tpu.memory_space<semaphore_mem>>
    %dma_wait3A_623 = arith.constant 0 : i32
    %dma_wait3A_624 = tpu.memref_slice %arg8[%dma_wait3A_615, %dma_wait3A_623] : memref<12x40xi32, #tpu.memory_space<vmem>> -> memref<1x40xi32, #tpu.memory_space<vmem>>
    %dma_wait3A_625 = tpu.memref_squeeze %dma_wait3A_624 : memref<1x40xi32, #tpu.memory_space<vmem>> -> memref<40xi32, #tpu.memory_space<vmem>>
    %dma_wait3A_626 = tpu.memref_slice %arg3[%add3A_602] : memref<320000xi32, #tpu.memory_space<hbm>> -> memref<40xi32, #tpu.memory_space<hbm>>
    tpu.wait_dma2 semaphore(%dma_wait3A_622 : memref<!tpu.dma_semaphore, #tpu.memory_space<semaphore_mem>>) src(%dma_wait3A_626 : memref<40xi32, #tpu.memory_space<hbm>>) dst(%dma_wait3A_625 : memref<40xi32, #tpu.memory_space<vmem>>)
    %dma_start3A_627 = arith.constant 0 : i32
    %dma_start3A_628 = arith.constant 0 : i32
    %dma_start3A_629 = arith.constant 0 : i32
    %dma_start3A_630 = arith.constant 0 : i32
    %dma_start3A_631 = tpu.memref_slice %arg9[%dma_start3A_629, %dma_start3A_630] : memref<320x128xf32, #tpu.memory_space<vmem>> -> memref<40x128xf32, #tpu.memory_space<vmem>>
    %dma_start3A_632 = arith.constant 0 : i32
    %dma_start3A_633 = tpu.memref_slice %arg7[%dma_start3A_627, %dma_start3A_632] : memref<12x40xi32, #tpu.memory_space<vmem>> -> memref<1x40xi32, #tpu.memory_space<vmem>>
    %dma_start3A_634 = tpu.memref_squeeze %dma_start3A_633 : memref<1x40xi32, #tpu.memory_space<vmem>> -> memref<40xi32, #tpu.memory_space<vmem>>
    %dma_start3A_635 = arith.constant 0 : i32
    %dma_start3A_636 = arith.constant 0 : i32
    %dma_start3A_637 = tpu.memref_slice %arg4[%dma_start3A_635, %dma_start3A_636] : memref<10000x128xf32, #tpu.memory_space<hbm>> -> memref<10000x128xf32, #tpu.memory_space<hbm>>
    %dma_start3A_638 = tpu.memref_slice %arg11[%dma_start3A_628] : memref<8x!tpu.dma_semaphore, #tpu.memory_space<semaphore_mem>> -> memref<1x!tpu.dma_semaphore, #tpu.memory_space<semaphore_mem>>
    %dma_start3A_639 = tpu.memref_squeeze %dma_start3A_638 : memref<1x!tpu.dma_semaphore, #tpu.memory_space<semaphore_mem>> -> memref<!tpu.dma_semaphore, #tpu.memory_space<semaphore_mem>>
    tpu.enqueue_indirect_dma source(%dma_start3A_637 : memref<10000x128xf32, #tpu.memory_space<hbm>>) target(%dma_start3A_631 : memref<40x128xf32, #tpu.memory_space<vmem>>) offsets(%dma_start3A_634 : memref<40xi32, #tpu.memory_space<vmem>>) semaphore(%dma_start3A_639 : memref<!tpu.dma_semaphore, #tpu.memory_space<semaphore_mem>>)
    %add3A_640 = arith.constant 40 : i32
    %add3A_641 = arith.addi %mul3A_2, %add3A_640 : i32
    %dma_wait3A_642 = arith.constant 1 : i32
    %dma_wait3A_643 = arith.constant 1 : i32
    %dma_wait3A_644 = arith.constant 0 : i32
    %dma_wait3A_645 = tpu.memref_slice %arg7[%dma_wait3A_642, %dma_wait3A_644] : memref<12x40xi32, #tpu.memory_space<vmem>> -> memref<1x40xi32, #tpu.memory_space<vmem>>
    %dma_wait3A_646 = tpu.memref_squeeze %dma_wait3A_645 : memref<1x40xi32, #tpu.memory_space<vmem>> -> memref<40xi32, #tpu.memory_space<vmem>>
    %dma_wait3A_647 = tpu.memref_slice %arg2[%add3A_641] : memref<320000xi32, #tpu.memory_space<hbm>> -> memref<40xi32, #tpu.memory_space<hbm>>
    %dma_wait3A_648 = tpu.memref_slice %arg13[%dma_wait3A_643] : memref<12x!tpu.dma_semaphore, #tpu.memory_space<semaphore_mem>> -> memref<1x!tpu.dma_semaphore, #tpu.memory_space<semaphore_mem>>
    %dma_wait3A_649 = tpu.memref_squeeze %dma_wait3A_648 : memref<1x!tpu.dma_semaphore, #tpu.memory_space<semaphore_mem>> -> memref<!tpu.dma_semaphore, #tpu.memory_space<semaphore_mem>>
    %dma_wait3A_650 = arith.constant 0 : i32
    %dma_wait3A_651 = tpu.memref_slice %arg7[%dma_wait3A_642, %dma_wait3A_650] : memref<12x40xi32, #tpu.memory_space<vmem>> -> memref<1x40xi32, #tpu.memory_space<vmem>>
    %dma_wait3A_652 = tpu.memref_squeeze %dma_wait3A_651 : memref<1x40xi32, #tpu.memory_space<vmem>> -> memref<40xi32, #tpu.memory_space<vmem>>
    %dma_wait3A_653 = tpu.memref_slice %arg2[%add3A_641] : memref<320000xi32, #tpu.memory_space<hbm>> -> memref<40xi32, #tpu.memory_space<hbm>>
    tpu.wait_dma2 semaphore(%dma_wait3A_649 : memref<!tpu.dma_semaphore, #tpu.memory_space<semaphore_mem>>) src(%dma_wait3A_653 : memref<40xi32, #tpu.memory_space<hbm>>) dst(%dma_wait3A_652 : memref<40xi32, #tpu.memory_space<vmem>>)
    %dma_wait3A_654 = arith.constant 1 : i32
    %dma_wait3A_655 = arith.constant 1 : i32
    %dma_wait3A_656 = arith.constant 0 : i32
    %dma_wait3A_657 = tpu.memref_slice %arg8[%dma_wait3A_654, %dma_wait3A_656] : memref<12x40xi32, #tpu.memory_space<vmem>> -> memref<1x40xi32, #tpu.memory_space<vmem>>
    %dma_wait3A_658 = tpu.memref_squeeze %dma_wait3A_657 : memref<1x40xi32, #tpu.memory_space<vmem>> -> memref<40xi32, #tpu.memory_space<vmem>>
    %dma_wait3A_659 = tpu.memref_slice %arg3[%add3A_641] : memref<320000xi32, #tpu.memory_space<hbm>> -> memref<40xi32, #tpu.memory_space<hbm>>
    %dma_wait3A_660 = tpu.memref_slice %arg13[%dma_wait3A_655] : memref<12x!tpu.dma_semaphore, #tpu.memory_space<semaphore_mem>> -> memref<1x!tpu.dma_semaphore, #tpu.memory_space<semaphore_mem>>
    %dma_wait3A_661 = tpu.memref_squeeze %dma_wait3A_660 : memref<1x!tpu.dma_semaphore, #tpu.memory_space<semaphore_mem>> -> memref<!tpu.dma_semaphore, #tpu.memory_space<semaphore_mem>>
    %dma_wait3A_662 = arith.constant 0 : i32
    %dma_wait3A_663 = tpu.memref_slice %arg8[%dma_wait3A_654, %dma_wait3A_662] : memref<12x40xi32, #tpu.memory_space<vmem>> -> memref<1x40xi32, #tpu.memory_space<vmem>>
    %dma_wait3A_664 = tpu.memref_squeeze %dma_wait3A_663 : memref<1x40xi32, #tpu.memory_space<vmem>> -> memref<40xi32, #tpu.memory_space<vmem>>
    %dma_wait3A_665 = tpu.memref_slice %arg3[%add3A_641] : memref<320000xi32, #tpu.memory_space<hbm>> -> memref<40xi32, #tpu.memory_space<hbm>>
    tpu.wait_dma2 semaphore(%dma_wait3A_661 : memref<!tpu.dma_semaphore, #tpu.memory_space<semaphore_mem>>) src(%dma_wait3A_665 : memref<40xi32, #tpu.memory_space<hbm>>) dst(%dma_wait3A_664 : memref<40xi32, #tpu.memory_space<vmem>>)
    %dma_start3A_666 = arith.constant 1 : i32
    %dma_start3A_667 = arith.constant 1 : i32
    %dma_start3A_668 = arith.constant 40 : i32
    %dma_start3A_669 = arith.constant 0 : i32
    %dma_start3A_670 = tpu.memref_slice %arg9[%dma_start3A_668, %dma_start3A_669] : memref<320x128xf32, #tpu.memory_space<vmem>> -> memref<40x128xf32, #tpu.memory_space<vmem>>
    %dma_start3A_671 = arith.constant 0 : i32
    %dma_start3A_672 = tpu.memref_slice %arg7[%dma_start3A_666, %dma_start3A_671] : memref<12x40xi32, #tpu.memory_space<vmem>> -> memref<1x40xi32, #tpu.memory_space<vmem>>
    %dma_start3A_673 = tpu.memref_squeeze %dma_start3A_672 : memref<1x40xi32, #tpu.memory_space<vmem>> -> memref<40xi32, #tpu.memory_space<vmem>>
    %dma_start3A_674 = arith.constant 0 : i32
    %dma_start3A_675 = arith.constant 0 : i32
    %dma_start3A_676 = tpu.memref_slice %arg4[%dma_start3A_674, %dma_start3A_675] : memref<10000x128xf32, #tpu.memory_space<hbm>> -> memref<10000x128xf32, #tpu.memory_space<hbm>>
    %dma_start3A_677 = tpu.memref_slice %arg11[%dma_start3A_667] : memref<8x!tpu.dma_semaphore, #tpu.memory_space<semaphore_mem>> -> memref<1x!tpu.dma_semaphore, #tpu.memory_space<semaphore_mem>>
    %dma_start3A_678 = tpu.memref_squeeze %dma_start3A_677 : memref<1x!tpu.dma_semaphore, #tpu.memory_space<semaphore_mem>> -> memref<!tpu.dma_semaphore, #tpu.memory_space<semaphore_mem>>
    tpu.enqueue_indirect_dma source(%dma_start3A_676 : memref<10000x128xf32, #tpu.memory_space<hbm>>) target(%dma_start3A_670 : memref<40x128xf32, #tpu.memory_space<vmem>>) offsets(%dma_start3A_673 : memref<40xi32, #tpu.memory_space<vmem>>) semaphore(%dma_start3A_678 : memref<!tpu.dma_semaphore, #tpu.memory_space<semaphore_mem>>)
    %add3A_679 = arith.constant 80 : i32
    %add3A_680 = arith.addi %mul3A_2, %add3A_679 : i32
    %dma_wait3A_681 = arith.constant 2 : i32
    %dma_wait3A_682 = arith.constant 2 : i32
    %dma_wait3A_683 = arith.constant 0 : i32
    %dma_wait3A_684 = tpu.memref_slice %arg7[%dma_wait3A_681, %dma_wait3A_683] : memref<12x40xi32, #tpu.memory_space<vmem>> -> memref<1x40xi32, #tpu.memory_space<vmem>>
    %dma_wait3A_685 = tpu.memref_squeeze %dma_wait3A_684 : memref<1x40xi32, #tpu.memory_space<vmem>> -> memref<40xi32, #tpu.memory_space<vmem>>
    %dma_wait3A_686 = tpu.memref_slice %arg2[%add3A_680] : memref<320000xi32, #tpu.memory_space<hbm>> -> memref<40xi32, #tpu.memory_space<hbm>>
    %dma_wait3A_687 = tpu.memref_slice %arg13[%dma_wait3A_682] : memref<12x!tpu.dma_semaphore, #tpu.memory_space<semaphore_mem>> -> memref<1x!tpu.dma_semaphore, #tpu.memory_space<semaphore_mem>>
    %dma_wait3A_688 = tpu.memref_squeeze %dma_wait3A_687 : memref<1x!tpu.dma_semaphore, #tpu.memory_space<semaphore_mem>> -> memref<!tpu.dma_semaphore, #tpu.memory_space<semaphore_mem>>
    %dma_wait3A_689 = arith.constant 0 : i32
    %dma_wait3A_690 = tpu.memref_slice %arg7[%dma_wait3A_681, %dma_wait3A_689] : memref<12x40xi32, #tpu.memory_space<vmem>> -> memref<1x40xi32, #tpu.memory_space<vmem>>
    %dma_wait3A_691 = tpu.memref_squeeze %dma_wait3A_690 : memref<1x40xi32, #tpu.memory_space<vmem>> -> memref<40xi32, #tpu.memory_space<vmem>>
    %dma_wait3A_692 = tpu.memref_slice %arg2[%add3A_680] : memref<320000xi32, #tpu.memory_space<hbm>> -> memref<40xi32, #tpu.memory_space<hbm>>
    tpu.wait_dma2 semaphore(%dma_wait3A_688 : memref<!tpu.dma_semaphore, #tpu.memory_space<semaphore_mem>>) src(%dma_wait3A_692 : memref<40xi32, #tpu.memory_space<hbm>>) dst(%dma_wait3A_691 : memref<40xi32, #tpu.memory_space<vmem>>)
    %dma_wait3A_693 = arith.constant 2 : i32
    %dma_wait3A_694 = arith.constant 2 : i32
    %dma_wait3A_695 = arith.constant 0 : i32
    %dma_wait3A_696 = tpu.memref_slice %arg8[%dma_wait3A_693, %dma_wait3A_695] : memref<12x40xi32, #tpu.memory_space<vmem>> -> memref<1x40xi32, #tpu.memory_space<vmem>>
    %dma_wait3A_697 = tpu.memref_squeeze %dma_wait3A_696 : memref<1x40xi32, #tpu.memory_space<vmem>> -> memref<40xi32, #tpu.memory_space<vmem>>
    %dma_wait3A_698 = tpu.memref_slice %arg3[%add3A_680] : memref<320000xi32, #tpu.memory_space<hbm>> -> memref<40xi32, #tpu.memory_space<hbm>>
    %dma_wait3A_699 = tpu.memref_slice %arg13[%dma_wait3A_694] : memref<12x!tpu.dma_semaphore, #tpu.memory_space<semaphore_mem>> -> memref<1x!tpu.dma_semaphore, #tpu.memory_space<semaphore_mem>>
    %dma_wait3A_700 = tpu.memref_squeeze %dma_wait3A_699 : memref<1x!tpu.dma_semaphore, #tpu.memory_space<semaphore_mem>> -> memref<!tpu.dma_semaphore, #tpu.memory_space<semaphore_mem>>
    %dma_wait3A_701 = arith.constant 0 : i32
    %dma_wait3A_702 = tpu.memref_slice %arg8[%dma_wait3A_693, %dma_wait3A_701] : memref<12x40xi32, #tpu.memory_space<vmem>> -> memref<1x40xi32, #tpu.memory_space<vmem>>
    %dma_wait3A_703 = tpu.memref_squeeze %dma_wait3A_702 : memref<1x40xi32, #tpu.memory_space<vmem>> -> memref<40xi32, #tpu.memory_space<vmem>>
    %dma_wait3A_704 = tpu.memref_slice %arg3[%add3A_680] : memref<320000xi32, #tpu.memory_space<hbm>> -> memref<40xi32, #tpu.memory_space<hbm>>
    tpu.wait_dma2 semaphore(%dma_wait3A_700 : memref<!tpu.dma_semaphore, #tpu.memory_space<semaphore_mem>>) src(%dma_wait3A_704 : memref<40xi32, #tpu.memory_space<hbm>>) dst(%dma_wait3A_703 : memref<40xi32, #tpu.memory_space<vmem>>)
    %dma_start3A_705 = arith.constant 2 : i32
    %dma_start3A_706 = arith.constant 2 : i32
    %dma_start3A_707 = arith.constant 80 : i32
    %dma_start3A_708 = arith.constant 0 : i32
    %dma_start3A_709 = tpu.memref_slice %arg9[%dma_start3A_707, %dma_start3A_708] : memref<320x128xf32, #tpu.memory_space<vmem>> -> memref<40x128xf32, #tpu.memory_space<vmem>>
    %dma_start3A_710 = arith.constant 0 : i32
    %dma_start3A_711 = tpu.memref_slice %arg7[%dma_start3A_705, %dma_start3A_710] : memref<12x40xi32, #tpu.memory_space<vmem>> -> memref<1x40xi32, #tpu.memory_space<vmem>>
    %dma_start3A_712 = tpu.memref_squeeze %dma_start3A_711 : memref<1x40xi32, #tpu.memory_space<vmem>> -> memref<40xi32, #tpu.memory_space<vmem>>
    %dma_start3A_713 = arith.constant 0 : i32
    %dma_start3A_714 = arith.constant 0 : i32
    %dma_start3A_715 = tpu.memref_slice %arg4[%dma_start3A_713, %dma_start3A_714] : memref<10000x128xf32, #tpu.memory_space<hbm>> -> memref<10000x128xf32, #tpu.memory_space<hbm>>
    %dma_start3A_716 = tpu.memref_slice %arg11[%dma_start3A_706] : memref<8x!tpu.dma_semaphore, #tpu.memory_space<semaphore_mem>> -> memref<1x!tpu.dma_semaphore, #tpu.memory_space<semaphore_mem>>
    %dma_start3A_717 = tpu.memref_squeeze %dma_start3A_716 : memref<1x!tpu.dma_semaphore, #tpu.memory_space<semaphore_mem>> -> memref<!tpu.dma_semaphore, #tpu.memory_space<semaphore_mem>>
    tpu.enqueue_indirect_dma source(%dma_start3A_715 : memref<10000x128xf32, #tpu.memory_space<hbm>>) target(%dma_start3A_709 : memref<40x128xf32, #tpu.memory_space<vmem>>) offsets(%dma_start3A_712 : memref<40xi32, #tpu.memory_space<vmem>>) semaphore(%dma_start3A_717 : memref<!tpu.dma_semaphore, #tpu.memory_space<semaphore_mem>>)
    %add3A_718 = arith.constant 120 : i32
    %add3A_719 = arith.addi %mul3A_2, %add3A_718 : i32
    %dma_wait3A_720 = arith.constant 3 : i32
    %dma_wait3A_721 = arith.constant 3 : i32
    %dma_wait3A_722 = arith.constant 0 : i32
    %dma_wait3A_723 = tpu.memref_slice %arg7[%dma_wait3A_720, %dma_wait3A_722] : memref<12x40xi32, #tpu.memory_space<vmem>> -> memref<1x40xi32, #tpu.memory_space<vmem>>
    %dma_wait3A_724 = tpu.memref_squeeze %dma_wait3A_723 : memref<1x40xi32, #tpu.memory_space<vmem>> -> memref<40xi32, #tpu.memory_space<vmem>>
    %dma_wait3A_725 = tpu.memref_slice %arg2[%add3A_719] : memref<320000xi32, #tpu.memory_space<hbm>> -> memref<40xi32, #tpu.memory_space<hbm>>
    %dma_wait3A_726 = tpu.memref_slice %arg13[%dma_wait3A_721] : memref<12x!tpu.dma_semaphore, #tpu.memory_space<semaphore_mem>> -> memref<1x!tpu.dma_semaphore, #tpu.memory_space<semaphore_mem>>
    %dma_wait3A_727 = tpu.memref_squeeze %dma_wait3A_726 : memref<1x!tpu.dma_semaphore, #tpu.memory_space<semaphore_mem>> -> memref<!tpu.dma_semaphore, #tpu.memory_space<semaphore_mem>>
    %dma_wait3A_728 = arith.constant 0 : i32
    %dma_wait3A_729 = tpu.memref_slice %arg7[%dma_wait3A_720, %dma_wait3A_728] : memref<12x40xi32, #tpu.memory_space<vmem>> -> memref<1x40xi32, #tpu.memory_space<vmem>>
    %dma_wait3A_730 = tpu.memref_squeeze %dma_wait3A_729 : memref<1x40xi32, #tpu.memory_space<vmem>> -> memref<40xi32, #tpu.memory_space<vmem>>
    %dma_wait3A_731 = tpu.memref_slice %arg2[%add3A_719] : memref<320000xi32, #tpu.memory_space<hbm>> -> memref<40xi32, #tpu.memory_space<hbm>>
    tpu.wait_dma2 semaphore(%dma_wait3A_727 : memref<!tpu.dma_semaphore, #tpu.memory_space<semaphore_mem>>) src(%dma_wait3A_731 : memref<40xi32, #tpu.memory_space<hbm>>) dst(%dma_wait3A_730 : memref<40xi32, #tpu.memory_space<vmem>>)
    %dma_wait3A_732 = arith.constant 3 : i32
    %dma_wait3A_733 = arith.constant 3 : i32
    %dma_wait3A_734 = arith.constant 0 : i32
    %dma_wait3A_735 = tpu.memref_slice %arg8[%dma_wait3A_732, %dma_wait3A_734] : memref<12x40xi32, #tpu.memory_space<vmem>> -> memref<1x40xi32, #tpu.memory_space<vmem>>
    %dma_wait3A_736 = tpu.memref_squeeze %dma_wait3A_735 : memref<1x40xi32, #tpu.memory_space<vmem>> -> memref<40xi32, #tpu.memory_space<vmem>>
    %dma_wait3A_737 = tpu.memref_slice %arg3[%add3A_719] : memref<320000xi32, #tpu.memory_space<hbm>> -> memref<40xi32, #tpu.memory_space<hbm>>
    %dma_wait3A_738 = tpu.memref_slice %arg13[%dma_wait3A_733] : memref<12x!tpu.dma_semaphore, #tpu.memory_space<semaphore_mem>> -> memref<1x!tpu.dma_semaphore, #tpu.memory_space<semaphore_mem>>
    %dma_wait3A_739 = tpu.memref_squeeze %dma_wait3A_738 : memref<1x!tpu.dma_semaphore, #tpu.memory_space<semaphore_mem>> -> memref<!tpu.dma_semaphore, #tpu.memory_space<semaphore_mem>>
    %dma_wait3A_740 = arith.constant 0 : i32
    %dma_wait3A_741 = tpu.memref_slice %arg8[%dma_wait3A_732, %dma_wait3A_740] : memref<12x40xi32, #tpu.memory_space<vmem>> -> memref<1x40xi32, #tpu.memory_space<vmem>>
    %dma_wait3A_742 = tpu.memref_squeeze %dma_wait3A_741 : memref<1x40xi32, #tpu.memory_space<vmem>> -> memref<40xi32, #tpu.memory_space<vmem>>
    %dma_wait3A_743 = tpu.memref_slice %arg3[%add3A_719] : memref<320000xi32, #tpu.memory_space<hbm>> -> memref<40xi32, #tpu.memory_space<hbm>>
    tpu.wait_dma2 semaphore(%dma_wait3A_739 : memref<!tpu.dma_semaphore, #tpu.memory_space<semaphore_mem>>) src(%dma_wait3A_743 : memref<40xi32, #tpu.memory_space<hbm>>) dst(%dma_wait3A_742 : memref<40xi32, #tpu.memory_space<vmem>>)
    %dma_start3A_744 = arith.constant 3 : i32
    %dma_start3A_745 = arith.constant 3 : i32
    %dma_start3A_746 = arith.constant 120 : i32
    %dma_start3A_747 = arith.constant 0 : i32
    %dma_start3A_748 = tpu.memref_slice %arg9[%dma_start3A_746, %dma_start3A_747] : memref<320x128xf32, #tpu.memory_space<vmem>> -> memref<40x128xf32, #tpu.memory_space<vmem>>
    %dma_start3A_749 = arith.constant 0 : i32
    %dma_start3A_750 = tpu.memref_slice %arg7[%dma_start3A_744, %dma_start3A_749] : memref<12x40xi32, #tpu.memory_space<vmem>> -> memref<1x40xi32, #tpu.memory_space<vmem>>
    %dma_start3A_751 = tpu.memref_squeeze %dma_start3A_750 : memref<1x40xi32, #tpu.memory_space<vmem>> -> memref<40xi32, #tpu.memory_space<vmem>>
    %dma_start3A_752 = arith.constant 0 : i32
    %dma_start3A_753 = arith.constant 0 : i32
    %dma_start3A_754 = tpu.memref_slice %arg4[%dma_start3A_752, %dma_start3A_753] : memref<10000x128xf32, #tpu.memory_space<hbm>> -> memref<10000x128xf32, #tpu.memory_space<hbm>>
    %dma_start3A_755 = tpu.memref_slice %arg11[%dma_start3A_745] : memref<8x!tpu.dma_semaphore, #tpu.memory_space<semaphore_mem>> -> memref<1x!tpu.dma_semaphore, #tpu.memory_space<semaphore_mem>>
    %dma_start3A_756 = tpu.memref_squeeze %dma_start3A_755 : memref<1x!tpu.dma_semaphore, #tpu.memory_space<semaphore_mem>> -> memref<!tpu.dma_semaphore, #tpu.memory_space<semaphore_mem>>
    tpu.enqueue_indirect_dma source(%dma_start3A_754 : memref<10000x128xf32, #tpu.memory_space<hbm>>) target(%dma_start3A_748 : memref<40x128xf32, #tpu.memory_space<vmem>>) offsets(%dma_start3A_751 : memref<40xi32, #tpu.memory_space<vmem>>) semaphore(%dma_start3A_756 : memref<!tpu.dma_semaphore, #tpu.memory_space<semaphore_mem>>)
    %barrier3A = arith.constant 0 : index
    tpu.barrier barrier_id(%barrier3A)
    %scan3A_757 = arith.constant 0 : i32
    %scan3A_758 = arith.constant 0 : i32
    %scan3A_759 = arith.constant 250 : i32
    %scan3A_760 = arith.addi %scan3A_758, %scan3A_759 : i32
    %scan3A_761 = arith.constant 1 : i32
    %scan3A_762 = scf.for %scan3A_838 = %scan3A_758 to %scan3A_760 step %scan3A_761 iter_args(%scan3A_839 = %scan3A_757) -> (i32)  : i32 {
      %jit3A = arith.constant 12 : i32
      %eq3A_840 = arith.constant 0 : i32
      %eq3A_841 = arith.cmpi eq, %jit3A, %eq3A_840 : i32
      %jit3A_842 = arith.constant 1 : i32
      %select_n3A = arith.select %eq3A_841, %jit3A_842, %jit3A : i32
      %rem3A = arith.remsi %scan3A_838, %select_n3A : i32
      %ne3A = arith.constant 0 : i32
      %ne3A_843 = arith.cmpi ne, %rem3A, %ne3A : i32
      %lt3A = arith.constant 0 : i32
      %lt3A_844 = arith.cmpi slt, %rem3A, %lt3A : i32
      %lt3A_845 = arith.constant 0 : i32
      %lt3A_846 = arith.cmpi slt, %select_n3A, %lt3A_845 : i32
      %ne3A_847 = arith.xori %lt3A_844, %lt3A_846 : i1
      %and3A = arith.andi %ne3A_847, %ne3A_843 : i1
      %add3A_848 = arith.addi %rem3A, %select_n3A : i32
      %select_n3A_849 = arith.select %and3A, %add3A_848, %rem3A : i32
      %jit3A_850 = arith.constant 8 : i32
      %eq3A_851 = arith.constant 0 : i32
      %eq3A_852 = arith.cmpi eq, %jit3A_850, %eq3A_851 : i32
      %jit3A_853 = arith.constant 1 : i32
      %select_n3A_854 = arith.select %eq3A_852, %jit3A_853, %jit3A_850 : i32
      %rem3A_855 = arith.remsi %scan3A_838, %select_n3A_854 : i32
      %ne3A_856 = arith.constant 0 : i32
      %ne3A_857 = arith.cmpi ne, %rem3A_855, %ne3A_856 : i32
      %lt3A_858 = arith.constant 0 : i32
      %lt3A_859 = arith.cmpi slt, %rem3A_855, %lt3A_858 : i32
      %lt3A_860 = arith.constant 0 : i32
      %lt3A_861 = arith.cmpi slt, %select_n3A_854, %lt3A_860 : i32
      %ne3A_862 = arith.xori %lt3A_859, %lt3A_861 : i1
      %and3A_863 = arith.andi %ne3A_862, %ne3A_857 : i1
      %add3A_864 = arith.addi %rem3A_855, %select_n3A_854 : i32
      %select_n3A_865 = arith.select %and3A_863, %add3A_864, %rem3A_855 : i32
      %mul3A_866 = arith.constant 40 : i32
      %mul3A_867 = arith.muli %select_n3A_865, %mul3A_866 : i32
      %jit3A_868 = arith.constant 8 : i32
      %eq3A_869 = arith.constant 0 : i32
      %eq3A_870 = arith.cmpi eq, %jit3A_868, %eq3A_869 : i32
      %jit3A_871 = arith.constant 1 : i32
      %select_n3A_872 = arith.select %eq3A_870, %jit3A_871, %jit3A_868 : i32
      %rem3A_873 = arith.remsi %scan3A_838, %select_n3A_872 : i32
      %ne3A_874 = arith.constant 0 : i32
      %ne3A_875 = arith.cmpi ne, %rem3A_873, %ne3A_874 : i32
      %lt3A_876 = arith.constant 0 : i32
      %lt3A_877 = arith.cmpi slt, %rem3A_873, %lt3A_876 : i32
      %lt3A_878 = arith.constant 0 : i32
      %lt3A_879 = arith.cmpi slt, %select_n3A_872, %lt3A_878 : i32
      %ne3A_880 = arith.xori %lt3A_877, %lt3A_879 : i1
      %and3A_881 = arith.andi %ne3A_880, %ne3A_875 : i1
      %add3A_882 = arith.addi %rem3A_873, %select_n3A_872 : i32
      %select_n3A_883 = arith.select %and3A_881, %add3A_882, %rem3A_873 : i32
      %dma_wait3A_884 = arith.constant 0 : i32
      %dma_wait3A_885 = tpu.memref_slice %arg9[%mul3A_867, %dma_wait3A_884] : memref<320x128xf32, #tpu.memory_space<vmem>> -> memref<40x128xf32, #tpu.memory_space<vmem>>
      %dma_wait3A_886 = arith.constant 0 : i32
      %dma_wait3A_887 = tpu.memref_slice %arg7[%select_n3A_849, %dma_wait3A_886] : memref<12x40xi32, #tpu.memory_space<vmem>> -> memref<1x40xi32, #tpu.memory_space<vmem>>
      %dma_wait3A_888 = tpu.memref_squeeze %dma_wait3A_887 : memref<1x40xi32, #tpu.memory_space<vmem>> -> memref<40xi32, #tpu.memory_space<vmem>>
      %dma_wait3A_889 = arith.constant 0 : i32
      %dma_wait3A_890 = arith.constant 0 : i32
      %dma_wait3A_891 = tpu.memref_slice %arg4[%dma_wait3A_889, %dma_wait3A_890] : memref<10000x128xf32, #tpu.memory_space<hbm>> -> memref<10000x128xf32, #tpu.memory_space<hbm>>
      %dma_wait3A_892 = tpu.memref_slice %arg11[%select_n3A_883] : memref<8x!tpu.dma_semaphore, #tpu.memory_space<semaphore_mem>> -> memref<1x!tpu.dma_semaphore, #tpu.memory_space<semaphore_mem>>
      %dma_wait3A_893 = tpu.memref_squeeze %dma_wait3A_892 : memref<1x!tpu.dma_semaphore, #tpu.memory_space<semaphore_mem>> -> memref<!tpu.dma_semaphore, #tpu.memory_space<semaphore_mem>>
      tpu.wait_indirect_dma semaphore(%dma_wait3A_893 : memref<!tpu.dma_semaphore, #tpu.memory_space<semaphore_mem>>) src(%dma_wait3A_891 : memref<10000x128xf32, #tpu.memory_space<hbm>>) dst(%dma_wait3A_885 : memref<40x128xf32, #tpu.memory_space<vmem>>)
      %jit3A_894 = arith.constant 8 : i32
      %eq3A_895 = arith.constant 0 : i32
      %eq3A_896 = arith.cmpi eq, %jit3A_894, %eq3A_895 : i32
      %jit3A_897 = arith.constant 1 : i32
      %select_n3A_898 = arith.select %eq3A_896, %jit3A_897, %jit3A_894 : i32
      %rem3A_899 = arith.remsi %scan3A_838, %select_n3A_898 : i32
      %ne3A_900 = arith.constant 0 : i32
      %ne3A_901 = arith.cmpi ne, %rem3A_899, %ne3A_900 : i32
      %lt3A_902 = arith.constant 0 : i32
      %lt3A_903 = arith.cmpi slt, %rem3A_899, %lt3A_902 : i32
      %lt3A_904 = arith.constant 0 : i32
      %lt3A_905 = arith.cmpi slt, %select_n3A_898, %lt3A_904 : i32
      %ne3A_906 = arith.xori %lt3A_903, %lt3A_905 : i1
      %and3A_907 = arith.andi %ne3A_906, %ne3A_901 : i1
      %add3A_908 = arith.addi %rem3A_899, %select_n3A_898 : i32
      %select_n3A_909 = arith.select %and3A_907, %add3A_908, %rem3A_899 : i32
      %mul3A_910 = arith.constant 40 : i32
      %mul3A_911 = arith.muli %select_n3A_909, %mul3A_910 : i32
      %jit3A_912 = arith.constant 12 : i32
      %eq3A_913 = arith.constant 0 : i32
      %eq3A_914 = arith.cmpi eq, %jit3A_912, %eq3A_913 : i32
      %jit3A_915 = arith.constant 1 : i32
      %select_n3A_916 = arith.select %eq3A_914, %jit3A_915, %jit3A_912 : i32
      %rem3A_917 = arith.remsi %scan3A_838, %select_n3A_916 : i32
      %ne3A_918 = arith.constant 0 : i32
      %ne3A_919 = arith.cmpi ne, %rem3A_917, %ne3A_918 : i32
      %lt3A_920 = arith.constant 0 : i32
      %lt3A_921 = arith.cmpi slt, %rem3A_917, %lt3A_920 : i32
      %lt3A_922 = arith.constant 0 : i32
      %lt3A_923 = arith.cmpi slt, %select_n3A_916, %lt3A_922 : i32
      %ne3A_924 = arith.xori %lt3A_921, %lt3A_923 : i1
      %and3A_925 = arith.andi %ne3A_924, %ne3A_919 : i1
      %add3A_926 = arith.addi %rem3A_917, %select_n3A_916 : i32
      %select_n3A_927 = arith.select %and3A_925, %add3A_926, %rem3A_917 : i32
      %jit3A_928 = arith.constant 8 : i32
      %eq3A_929 = arith.constant 0 : i32
      %eq3A_930 = arith.cmpi eq, %jit3A_928, %eq3A_929 : i32
      %jit3A_931 = arith.constant 1 : i32
      %select_n3A_932 = arith.select %eq3A_930, %jit3A_931, %jit3A_928 : i32
      %rem3A_933 = arith.remsi %scan3A_838, %select_n3A_932 : i32
      %ne3A_934 = arith.constant 0 : i32
      %ne3A_935 = arith.cmpi ne, %rem3A_933, %ne3A_934 : i32
      %lt3A_936 = arith.constant 0 : i32
      %lt3A_937 = arith.cmpi slt, %rem3A_933, %lt3A_936 : i32
      %lt3A_938 = arith.constant 0 : i32
      %lt3A_939 = arith.cmpi slt, %select_n3A_932, %lt3A_938 : i32
      %ne3A_940 = arith.xori %lt3A_937, %lt3A_939 : i1
      %and3A_941 = arith.andi %ne3A_940, %ne3A_935 : i1
      %add3A_942 = arith.addi %rem3A_933, %select_n3A_932 : i32
      %select_n3A_943 = arith.select %and3A_941, %add3A_942, %rem3A_933 : i32
      %dma_start3A_944 = arith.constant 0 : i32
      %dma_start3A_945 = tpu.memref_slice %arg9[%mul3A_911, %dma_start3A_944] : memref<320x128xf32, #tpu.memory_space<vmem>> -> memref<40x128xf32, #tpu.memory_space<vmem>>
      %dma_start3A_946 = arith.constant 0 : i32
      %dma_start3A_947 = tpu.memref_slice %arg8[%select_n3A_927, %dma_start3A_946] : memref<12x40xi32, #tpu.memory_space<vmem>> -> memref<1x40xi32, #tpu.memory_space<vmem>>
      %dma_start3A_948 = tpu.memref_squeeze %dma_start3A_947 : memref<1x40xi32, #tpu.memory_space<vmem>> -> memref<40xi32, #tpu.memory_space<vmem>>
      %dma_start3A_949 = arith.constant 0 : i32
      %dma_start3A_950 = arith.constant 0 : i32
      %dma_start3A_951 = tpu.memref_slice %arg10[%dma_start3A_949, %dma_start3A_950] : memref<10240x128xf32, #tpu.memory_space<vmem_shared>> -> memref<10240x128xf32, #tpu.memory_space<vmem_shared>>
      %dma_start3A_952 = tpu.memref_slice %arg12[%select_n3A_943] : memref<8x!tpu.dma_semaphore, #tpu.memory_space<semaphore_mem>> -> memref<1x!tpu.dma_semaphore, #tpu.memory_space<semaphore_mem>>
      %dma_start3A_953 = tpu.memref_squeeze %dma_start3A_952 : memref<1x!tpu.dma_semaphore, #tpu.memory_space<semaphore_mem>> -> memref<!tpu.dma_semaphore, #tpu.memory_space<semaphore_mem>>
      tpu.enqueue_indirect_dma source(%dma_start3A_945 : memref<40x128xf32, #tpu.memory_space<vmem>>) target(%dma_start3A_951 : memref<10240x128xf32, #tpu.memory_space<vmem_shared>>) offsets(%dma_start3A_948 : memref<40xi32, #tpu.memory_space<vmem>>) semaphore(%dma_start3A_953 : memref<!tpu.dma_semaphore, #tpu.memory_space<semaphore_mem>>) {add = true}
      %ge3A = arith.constant 4 : i32
      %ge3A_954 = arith.cmpi sge, %scan3A_838, %ge3A : i32
      %convert_element_type3A_955 = arith.extui %ge3A_954 : i1 to i32
      %cond3A_956 = arith.constant 0 : i32
      %cond3A_957 = arith.cmpi ne, %convert_element_type3A_955, %cond3A_956 : i32
      scf.if %cond3A_957 {
        %sub3A = arith.constant 4 : i32
        %sub3A_973 = arith.subi %scan3A_838, %sub3A : i32
        %jit3A_974 = arith.constant 8 : i32
        %eq3A_975 = arith.constant 0 : i32
        %eq3A_976 = arith.cmpi eq, %jit3A_974, %eq3A_975 : i32
        %jit3A_977 = arith.constant 1 : i32
        %select_n3A_978 = arith.select %eq3A_976, %jit3A_977, %jit3A_974 : i32
        %rem3A_979 = arith.remsi %sub3A_973, %select_n3A_978 : i32
        %ne3A_980 = arith.constant 0 : i32
        %ne3A_981 = arith.cmpi ne, %rem3A_979, %ne3A_980 : i32
        %lt3A_982 = arith.constant 0 : i32
        %lt3A_983 = arith.cmpi slt, %rem3A_979, %lt3A_982 : i32
        %lt3A_984 = arith.constant 0 : i32
        %lt3A_985 = arith.cmpi slt, %select_n3A_978, %lt3A_984 : i32
        %ne3A_986 = arith.xori %lt3A_983, %lt3A_985 : i1
        %and3A_987 = arith.andi %ne3A_986, %ne3A_981 : i1
        %add3A_988 = arith.addi %rem3A_979, %select_n3A_978 : i32
        %select_n3A_989 = arith.select %and3A_987, %add3A_988, %rem3A_979 : i32
        %mul3A_990 = arith.constant 40 : i32
        %mul3A_991 = arith.muli %select_n3A_989, %mul3A_990 : i32
        %jit3A_992 = arith.constant 12 : i32
        %eq3A_993 = arith.constant 0 : i32
        %eq3A_994 = arith.cmpi eq, %jit3A_992, %eq3A_993 : i32
        %jit3A_995 = arith.constant 1 : i32
        %select_n3A_996 = arith.select %eq3A_994, %jit3A_995, %jit3A_992 : i32
        %rem3A_997 = arith.remsi %sub3A_973, %select_n3A_996 : i32
        %ne3A_998 = arith.constant 0 : i32
        %ne3A_999 = arith.cmpi ne, %rem3A_997, %ne3A_998 : i32
        %lt3A_1000 = arith.constant 0 : i32
        %lt3A_1001 = arith.cmpi slt, %rem3A_997, %lt3A_1000 : i32
        %lt3A_1002 = arith.constant 0 : i32
        %lt3A_1003 = arith.cmpi slt, %select_n3A_996, %lt3A_1002 : i32
        %ne3A_1004 = arith.xori %lt3A_1001, %lt3A_1003 : i1
        %and3A_1005 = arith.andi %ne3A_1004, %ne3A_999 : i1
        %add3A_1006 = arith.addi %rem3A_997, %select_n3A_996 : i32
        %select_n3A_1007 = arith.select %and3A_1005, %add3A_1006, %rem3A_997 : i32
        %jit3A_1008 = arith.constant 8 : i32
        %eq3A_1009 = arith.constant 0 : i32
        %eq3A_1010 = arith.cmpi eq, %jit3A_1008, %eq3A_1009 : i32
        %jit3A_1011 = arith.constant 1 : i32
        %select_n3A_1012 = arith.select %eq3A_1010, %jit3A_1011, %jit3A_1008 : i32
        %rem3A_1013 = arith.remsi %sub3A_973, %select_n3A_1012 : i32
        %ne3A_1014 = arith.constant 0 : i32
        %ne3A_1015 = arith.cmpi ne, %rem3A_1013, %ne3A_1014 : i32
        %lt3A_1016 = arith.constant 0 : i32
        %lt3A_1017 = arith.cmpi slt, %rem3A_1013, %lt3A_1016 : i32
        %lt3A_1018 = arith.constant 0 : i32
        %lt3A_1019 = arith.cmpi slt, %select_n3A_1012, %lt3A_1018 : i32
        %ne3A_1020 = arith.xori %lt3A_1017, %lt3A_1019 : i1
        %and3A_1021 = arith.andi %ne3A_1020, %ne3A_1015 : i1
        %add3A_1022 = arith.addi %rem3A_1013, %select_n3A_1012 : i32
        %select_n3A_1023 = arith.select %and3A_1021, %add3A_1022, %rem3A_1013 : i32
        %dma_wait3A_1024 = arith.constant 0 : i32
        %dma_wait3A_1025 = tpu.memref_slice %arg9[%mul3A_991, %dma_wait3A_1024] : memref<320x128xf32, #tpu.memory_space<vmem>> -> memref<40x128xf32, #tpu.memory_space<vmem>>
        %dma_wait3A_1026 = arith.constant 0 : i32
        %dma_wait3A_1027 = tpu.memref_slice %arg8[%select_n3A_1007, %dma_wait3A_1026] : memref<12x40xi32, #tpu.memory_space<vmem>> -> memref<1x40xi32, #tpu.memory_space<vmem>>
        %dma_wait3A_1028 = tpu.memref_squeeze %dma_wait3A_1027 : memref<1x40xi32, #tpu.memory_space<vmem>> -> memref<40xi32, #tpu.memory_space<vmem>>
        %dma_wait3A_1029 = arith.constant 0 : i32
        %dma_wait3A_1030 = arith.constant 0 : i32
        %dma_wait3A_1031 = tpu.memref_slice %arg10[%dma_wait3A_1029, %dma_wait3A_1030] : memref<10240x128xf32, #tpu.memory_space<vmem_shared>> -> memref<10240x128xf32, #tpu.memory_space<vmem_shared>>
        %dma_wait3A_1032 = tpu.memref_slice %arg12[%select_n3A_1023] : memref<8x!tpu.dma_semaphore, #tpu.memory_space<semaphore_mem>> -> memref<1x!tpu.dma_semaphore, #tpu.memory_space<semaphore_mem>>
        %dma_wait3A_1033 = tpu.memref_squeeze %dma_wait3A_1032 : memref<1x!tpu.dma_semaphore, #tpu.memory_space<semaphore_mem>> -> memref<!tpu.dma_semaphore, #tpu.memory_space<semaphore_mem>>
        tpu.wait_indirect_dma semaphore(%dma_wait3A_1033 : memref<!tpu.dma_semaphore, #tpu.memory_space<semaphore_mem>>) src(%dma_wait3A_1025 : memref<40x128xf32, #tpu.memory_space<vmem>>) dst(%dma_wait3A_1031 : memref<10240x128xf32, #tpu.memory_space<vmem_shared>>)
      } else {
      }
      %add3A_958 = arith.constant 8 : i32
      %add3A_959 = arith.addi %scan3A_838, %add3A_958 : i32
      %lt3A_960 = arith.constant 250 : i32
      %lt3A_961 = arith.cmpi slt, %add3A_959, %lt3A_960 : i32
      %convert_element_type3A_962 = arith.extui %lt3A_961 : i1 to i32
      %cond3A_963 = arith.constant 0 : i32
      %cond3A_964 = arith.cmpi ne, %convert_element_type3A_962, %cond3A_963 : i32
      scf.if %cond3A_964 {
        %add3A_973 = arith.constant 8 : i32
        %add3A_974 = arith.addi %scan3A_838, %add3A_973 : i32
        %jit3A_975 = arith.constant 12 : i32
        %eq3A_976 = arith.constant 0 : i32
        %eq3A_977 = arith.cmpi eq, %jit3A_975, %eq3A_976 : i32
        %jit3A_978 = arith.constant 1 : i32
        %select_n3A_979 = arith.select %eq3A_977, %jit3A_978, %jit3A_975 : i32
        %rem3A_980 = arith.remsi %add3A_974, %select_n3A_979 : i32
        %ne3A_981 = arith.constant 0 : i32
        %ne3A_982 = arith.cmpi ne, %rem3A_980, %ne3A_981 : i32
        %lt3A_983 = arith.constant 0 : i32
        %lt3A_984 = arith.cmpi slt, %rem3A_980, %lt3A_983 : i32
        %lt3A_985 = arith.constant 0 : i32
        %lt3A_986 = arith.cmpi slt, %select_n3A_979, %lt3A_985 : i32
        %ne3A_987 = arith.xori %lt3A_984, %lt3A_986 : i1
        %and3A_988 = arith.andi %ne3A_987, %ne3A_982 : i1
        %add3A_989 = arith.addi %rem3A_980, %select_n3A_979 : i32
        %select_n3A_990 = arith.select %and3A_988, %add3A_989, %rem3A_980 : i32
        %mul3A_991 = arith.constant 40 : i32
        %mul3A_992 = arith.muli %add3A_974, %mul3A_991 : i32
        %add3A_993 = arith.addi %mul3A_2, %mul3A_992 : i32
        %dma_start3A_994 = arith.constant 0 : i32
        %dma_start3A_995 = tpu.memref_slice %arg7[%select_n3A_990, %dma_start3A_994] : memref<12x40xi32, #tpu.memory_space<vmem>> -> memref<1x40xi32, #tpu.memory_space<vmem>>
        %dma_start3A_996 = tpu.memref_squeeze %dma_start3A_995 : memref<1x40xi32, #tpu.memory_space<vmem>> -> memref<40xi32, #tpu.memory_space<vmem>>
        %dma_start3A_997 = tpu.memref_slice %arg2[%add3A_993] : memref<320000xi32, #tpu.memory_space<hbm>> -> memref<40xi32, #tpu.memory_space<hbm>>
        %dma_start3A_998 = tpu.memref_slice %arg13[%select_n3A_990] : memref<12x!tpu.dma_semaphore, #tpu.memory_space<semaphore_mem>> -> memref<1x!tpu.dma_semaphore, #tpu.memory_space<semaphore_mem>>
        %dma_start3A_999 = tpu.memref_squeeze %dma_start3A_998 : memref<1x!tpu.dma_semaphore, #tpu.memory_space<semaphore_mem>> -> memref<!tpu.dma_semaphore, #tpu.memory_space<semaphore_mem>>
        %dma_start3A_1000 = arith.constant 0 : i32
        %dma_start3A_1001 = tpu.memref_slice %arg7[%select_n3A_990, %dma_start3A_1000] : memref<12x40xi32, #tpu.memory_space<vmem>> -> memref<1x40xi32, #tpu.memory_space<vmem>>
        %dma_start3A_1002 = tpu.memref_squeeze %dma_start3A_1001 : memref<1x40xi32, #tpu.memory_space<vmem>> -> memref<40xi32, #tpu.memory_space<vmem>>
        %dma_start3A_1003 = tpu.memref_slice %arg2[%add3A_993] : memref<320000xi32, #tpu.memory_space<hbm>> -> memref<40xi32, #tpu.memory_space<hbm>>
        tpu.enqueue_dma source(%dma_start3A_1003 : memref<40xi32, #tpu.memory_space<hbm>>) target(%dma_start3A_1002 : memref<40xi32, #tpu.memory_space<vmem>>) target_semaphore(%dma_start3A_999 : memref<!tpu.dma_semaphore, #tpu.memory_space<semaphore_mem>>)
        %dma_start3A_1004 = arith.constant 0 : i32
        %dma_start3A_1005 = tpu.memref_slice %arg8[%select_n3A_990, %dma_start3A_1004] : memref<12x40xi32, #tpu.memory_space<vmem>> -> memref<1x40xi32, #tpu.memory_space<vmem>>
        %dma_start3A_1006 = tpu.memref_squeeze %dma_start3A_1005 : memref<1x40xi32, #tpu.memory_space<vmem>> -> memref<40xi32, #tpu.memory_space<vmem>>
        %dma_start3A_1007 = tpu.memref_slice %arg3[%add3A_993] : memref<320000xi32, #tpu.memory_space<hbm>> -> memref<40xi32, #tpu.memory_space<hbm>>
        %dma_start3A_1008 = tpu.memref_slice %arg13[%select_n3A_990] : memref<12x!tpu.dma_semaphore, #tpu.memory_space<semaphore_mem>> -> memref<1x!tpu.dma_semaphore, #tpu.memory_space<semaphore_mem>>
        %dma_start3A_1009 = tpu.memref_squeeze %dma_start3A_1008 : memref<1x!tpu.dma_semaphore, #tpu.memory_space<semaphore_mem>> -> memref<!tpu.dma_semaphore, #tpu.memory_space<semaphore_mem>>
        %dma_start3A_1010 = arith.constant 0 : i32
        %dma_start3A_1011 = tpu.memref_slice %arg8[%select_n3A_990, %dma_start3A_1010] : memref<12x40xi32, #tpu.memory_space<vmem>> -> memref<1x40xi32, #tpu.memory_space<vmem>>
        %dma_start3A_1012 = tpu.memref_squeeze %dma_start3A_1011 : memref<1x40xi32, #tpu.memory_space<vmem>> -> memref<40xi32, #tpu.memory_space<vmem>>
        %dma_start3A_1013 = tpu.memref_slice %arg3[%add3A_993] : memref<320000xi32, #tpu.memory_space<hbm>> -> memref<40xi32, #tpu.memory_space<hbm>>
        tpu.enqueue_dma source(%dma_start3A_1013 : memref<40xi32, #tpu.memory_space<hbm>>) target(%dma_start3A_1012 : memref<40xi32, #tpu.memory_space<vmem>>) target_semaphore(%dma_start3A_1009 : memref<!tpu.dma_semaphore, #tpu.memory_space<semaphore_mem>>)
      } else {
      }
      %add3A_965 = arith.constant 4 : i32
      %add3A_966 = arith.addi %scan3A_838, %add3A_965 : i32
      %lt3A_967 = arith.constant 250 : i32
      %lt3A_968 = arith.cmpi slt, %add3A_966, %lt3A_967 : i32
      %convert_element_type3A_969 = arith.extui %lt3A_968 : i1 to i32
      %cond3A_970 = arith.constant 0 : i32
      %cond3A_971 = arith.cmpi ne, %convert_element_type3A_969, %cond3A_970 : i32
      scf.if %cond3A_971 {
        %add3A_973 = arith.constant 4 : i32
        %add3A_974 = arith.addi %scan3A_838, %add3A_973 : i32
        %jit3A_975 = arith.constant 12 : i32
        %eq3A_976 = arith.constant 0 : i32
        %eq3A_977 = arith.cmpi eq, %jit3A_975, %eq3A_976 : i32
        %jit3A_978 = arith.constant 1 : i32
        %select_n3A_979 = arith.select %eq3A_977, %jit3A_978, %jit3A_975 : i32
        %rem3A_980 = arith.remsi %add3A_974, %select_n3A_979 : i32
        %ne3A_981 = arith.constant 0 : i32
        %ne3A_982 = arith.cmpi ne, %rem3A_980, %ne3A_981 : i32
        %lt3A_983 = arith.constant 0 : i32
        %lt3A_984 = arith.cmpi slt, %rem3A_980, %lt3A_983 : i32
        %lt3A_985 = arith.constant 0 : i32
        %lt3A_986 = arith.cmpi slt, %select_n3A_979, %lt3A_985 : i32
        %ne3A_987 = arith.xori %lt3A_984, %lt3A_986 : i1
        %and3A_988 = arith.andi %ne3A_987, %ne3A_982 : i1
        %add3A_989 = arith.addi %rem3A_980, %select_n3A_979 : i32
        %select_n3A_990 = arith.select %and3A_988, %add3A_989, %rem3A_980 : i32
        %mul3A_991 = arith.constant 40 : i32
        %mul3A_992 = arith.muli %add3A_974, %mul3A_991 : i32
        %add3A_993 = arith.addi %mul3A_2, %mul3A_992 : i32
        %dma_wait3A_994 = arith.constant 0 : i32
        %dma_wait3A_995 = tpu.memref_slice %arg7[%select_n3A_990, %dma_wait3A_994] : memref<12x40xi32, #tpu.memory_space<vmem>> -> memref<1x40xi32, #tpu.memory_space<vmem>>
        %dma_wait3A_996 = tpu.memref_squeeze %dma_wait3A_995 : memref<1x40xi32, #tpu.memory_space<vmem>> -> memref<40xi32, #tpu.memory_space<vmem>>
        %dma_wait3A_997 = tpu.memref_slice %arg2[%add3A_993] : memref<320000xi32, #tpu.memory_space<hbm>> -> memref<40xi32, #tpu.memory_space<hbm>>
        %dma_wait3A_998 = tpu.memref_slice %arg13[%select_n3A_990] : memref<12x!tpu.dma_semaphore, #tpu.memory_space<semaphore_mem>> -> memref<1x!tpu.dma_semaphore, #tpu.memory_space<semaphore_mem>>
        %dma_wait3A_999 = tpu.memref_squeeze %dma_wait3A_998 : memref<1x!tpu.dma_semaphore, #tpu.memory_space<semaphore_mem>> -> memref<!tpu.dma_semaphore, #tpu.memory_space<semaphore_mem>>
        %dma_wait3A_1000 = arith.constant 0 : i32
        %dma_wait3A_1001 = tpu.memref_slice %arg7[%select_n3A_990, %dma_wait3A_1000] : memref<12x40xi32, #tpu.memory_space<vmem>> -> memref<1x40xi32, #tpu.memory_space<vmem>>
        %dma_wait3A_1002 = tpu.memref_squeeze %dma_wait3A_1001 : memref<1x40xi32, #tpu.memory_space<vmem>> -> memref<40xi32, #tpu.memory_space<vmem>>
        %dma_wait3A_1003 = tpu.memref_slice %arg2[%add3A_993] : memref<320000xi32, #tpu.memory_space<hbm>> -> memref<40xi32, #tpu.memory_space<hbm>>
        tpu.wait_dma2 semaphore(%dma_wait3A_999 : memref<!tpu.dma_semaphore, #tpu.memory_space<semaphore_mem>>) src(%dma_wait3A_1003 : memref<40xi32, #tpu.memory_space<hbm>>) dst(%dma_wait3A_1002 : memref<40xi32, #tpu.memory_space<vmem>>)
        %dma_wait3A_1004 = arith.constant 0 : i32
        %dma_wait3A_1005 = tpu.memref_slice %arg8[%select_n3A_990, %dma_wait3A_1004] : memref<12x40xi32, #tpu.memory_space<vmem>> -> memref<1x40xi32, #tpu.memory_space<vmem>>
        %dma_wait3A_1006 = tpu.memref_squeeze %dma_wait3A_1005 : memref<1x40xi32, #tpu.memory_space<vmem>> -> memref<40xi32, #tpu.memory_space<vmem>>
        %dma_wait3A_1007 = tpu.memref_slice %arg3[%add3A_993] : memref<320000xi32, #tpu.memory_space<hbm>> -> memref<40xi32, #tpu.memory_space<hbm>>
        %dma_wait3A_1008 = tpu.memref_slice %arg13[%select_n3A_990] : memref<12x!tpu.dma_semaphore, #tpu.memory_space<semaphore_mem>> -> memref<1x!tpu.dma_semaphore, #tpu.memory_space<semaphore_mem>>
        %dma_wait3A_1009 = tpu.memref_squeeze %dma_wait3A_1008 : memref<1x!tpu.dma_semaphore, #tpu.memory_space<semaphore_mem>> -> memref<!tpu.dma_semaphore, #tpu.memory_space<semaphore_mem>>
        %dma_wait3A_1010 = arith.constant 0 : i32
        %dma_wait3A_1011 = tpu.memref_slice %arg8[%select_n3A_990, %dma_wait3A_1010] : memref<12x40xi32, #tpu.memory_space<vmem>> -> memref<1x40xi32, #tpu.memory_space<vmem>>
        %dma_wait3A_1012 = tpu.memref_squeeze %dma_wait3A_1011 : memref<1x40xi32, #tpu.memory_space<vmem>> -> memref<40xi32, #tpu.memory_space<vmem>>
        %dma_wait3A_1013 = tpu.memref_slice %arg3[%add3A_993] : memref<320000xi32, #tpu.memory_space<hbm>> -> memref<40xi32, #tpu.memory_space<hbm>>
        tpu.wait_dma2 semaphore(%dma_wait3A_1009 : memref<!tpu.dma_semaphore, #tpu.memory_space<semaphore_mem>>) src(%dma_wait3A_1013 : memref<40xi32, #tpu.memory_space<hbm>>) dst(%dma_wait3A_1012 : memref<40xi32, #tpu.memory_space<vmem>>)
        %add3A_1014 = arith.constant 4 : i32
        %add3A_1015 = arith.addi %scan3A_838, %add3A_1014 : i32
        %jit3A_1016 = arith.constant 12 : i32
        %eq3A_1017 = arith.constant 0 : i32
        %eq3A_1018 = arith.cmpi eq, %jit3A_1016, %eq3A_1017 : i32
        %jit3A_1019 = arith.constant 1 : i32
        %select_n3A_1020 = arith.select %eq3A_1018, %jit3A_1019, %jit3A_1016 : i32
        %rem3A_1021 = arith.remsi %add3A_1015, %select_n3A_1020 : i32
        %ne3A_1022 = arith.constant 0 : i32
        %ne3A_1023 = arith.cmpi ne, %rem3A_1021, %ne3A_1022 : i32
        %lt3A_1024 = arith.constant 0 : i32
        %lt3A_1025 = arith.cmpi slt, %rem3A_1021, %lt3A_1024 : i32
        %lt3A_1026 = arith.constant 0 : i32
        %lt3A_1027 = arith.cmpi slt, %select_n3A_1020, %lt3A_1026 : i32
        %ne3A_1028 = arith.xori %lt3A_1025, %lt3A_1027 : i1
        %and3A_1029 = arith.andi %ne3A_1028, %ne3A_1023 : i1
        %add3A_1030 = arith.addi %rem3A_1021, %select_n3A_1020 : i32
        %select_n3A_1031 = arith.select %and3A_1029, %add3A_1030, %rem3A_1021 : i32
        %jit3A_1032 = arith.constant 8 : i32
        %eq3A_1033 = arith.constant 0 : i32
        %eq3A_1034 = arith.cmpi eq, %jit3A_1032, %eq3A_1033 : i32
        %jit3A_1035 = arith.constant 1 : i32
        %select_n3A_1036 = arith.select %eq3A_1034, %jit3A_1035, %jit3A_1032 : i32
        %rem3A_1037 = arith.remsi %add3A_1015, %select_n3A_1036 : i32
        %ne3A_1038 = arith.constant 0 : i32
        %ne3A_1039 = arith.cmpi ne, %rem3A_1037, %ne3A_1038 : i32
        %lt3A_1040 = arith.constant 0 : i32
        %lt3A_1041 = arith.cmpi slt, %rem3A_1037, %lt3A_1040 : i32
        %lt3A_1042 = arith.constant 0 : i32
        %lt3A_1043 = arith.cmpi slt, %select_n3A_1036, %lt3A_1042 : i32
        %ne3A_1044 = arith.xori %lt3A_1041, %lt3A_1043 : i1
        %and3A_1045 = arith.andi %ne3A_1044, %ne3A_1039 : i1
        %add3A_1046 = arith.addi %rem3A_1037, %select_n3A_1036 : i32
        %select_n3A_1047 = arith.select %and3A_1045, %add3A_1046, %rem3A_1037 : i32
        %mul3A_1048 = arith.constant 40 : i32
        %mul3A_1049 = arith.muli %select_n3A_1047, %mul3A_1048 : i32
        %jit3A_1050 = arith.constant 8 : i32
        %eq3A_1051 = arith.constant 0 : i32
        %eq3A_1052 = arith.cmpi eq, %jit3A_1050, %eq3A_1051 : i32
        %jit3A_1053 = arith.constant 1 : i32
        %select_n3A_1054 = arith.select %eq3A_1052, %jit3A_1053, %jit3A_1050 : i32
        %rem3A_1055 = arith.remsi %add3A_1015, %select_n3A_1054 : i32
        %ne3A_1056 = arith.constant 0 : i32
        %ne3A_1057 = arith.cmpi ne, %rem3A_1055, %ne3A_1056 : i32
        %lt3A_1058 = arith.constant 0 : i32
        %lt3A_1059 = arith.cmpi slt, %rem3A_1055, %lt3A_1058 : i32
        %lt3A_1060 = arith.constant 0 : i32
        %lt3A_1061 = arith.cmpi slt, %select_n3A_1054, %lt3A_1060 : i32
        %ne3A_1062 = arith.xori %lt3A_1059, %lt3A_1061 : i1
        %and3A_1063 = arith.andi %ne3A_1062, %ne3A_1057 : i1
        %add3A_1064 = arith.addi %rem3A_1055, %select_n3A_1054 : i32
        %select_n3A_1065 = arith.select %and3A_1063, %add3A_1064, %rem3A_1055 : i32
        %dma_start3A_1066 = arith.constant 0 : i32
        %dma_start3A_1067 = tpu.memref_slice %arg9[%mul3A_1049, %dma_start3A_1066] : memref<320x128xf32, #tpu.memory_space<vmem>> -> memref<40x128xf32, #tpu.memory_space<vmem>>
        %dma_start3A_1068 = arith.constant 0 : i32
        %dma_start3A_1069 = tpu.memref_slice %arg7[%select_n3A_1031, %dma_start3A_1068] : memref<12x40xi32, #tpu.memory_space<vmem>> -> memref<1x40xi32, #tpu.memory_space<vmem>>
        %dma_start3A_1070 = tpu.memref_squeeze %dma_start3A_1069 : memref<1x40xi32, #tpu.memory_space<vmem>> -> memref<40xi32, #tpu.memory_space<vmem>>
        %dma_start3A_1071 = arith.constant 0 : i32
        %dma_start3A_1072 = arith.constant 0 : i32
        %dma_start3A_1073 = tpu.memref_slice %arg4[%dma_start3A_1071, %dma_start3A_1072] : memref<10000x128xf32, #tpu.memory_space<hbm>> -> memref<10000x128xf32, #tpu.memory_space<hbm>>
        %dma_start3A_1074 = tpu.memref_slice %arg11[%select_n3A_1065] : memref<8x!tpu.dma_semaphore, #tpu.memory_space<semaphore_mem>> -> memref<1x!tpu.dma_semaphore, #tpu.memory_space<semaphore_mem>>
        %dma_start3A_1075 = tpu.memref_squeeze %dma_start3A_1074 : memref<1x!tpu.dma_semaphore, #tpu.memory_space<semaphore_mem>> -> memref<!tpu.dma_semaphore, #tpu.memory_space<semaphore_mem>>
        tpu.enqueue_indirect_dma source(%dma_start3A_1073 : memref<10000x128xf32, #tpu.memory_space<hbm>>) target(%dma_start3A_1067 : memref<40x128xf32, #tpu.memory_space<vmem>>) offsets(%dma_start3A_1070 : memref<40xi32, #tpu.memory_space<vmem>>) semaphore(%dma_start3A_1075 : memref<!tpu.dma_semaphore, #tpu.memory_space<semaphore_mem>>)
      } else {
      }
      %scan3A_972 = arith.constant 0 : i32
      scf.yield %scan3A_972 : i32
    }
    %scan3A_763 = arith.constant 250 : i32
    %dma_wait3A_764 = arith.constant 6 : i32
    %dma_wait3A_765 = arith.constant 6 : i32
    %dma_wait3A_766 = arith.constant 240 : i32
    %dma_wait3A_767 = arith.constant 0 : i32
    %dma_wait3A_768 = tpu.memref_slice %arg9[%dma_wait3A_766, %dma_wait3A_767] : memref<320x128xf32, #tpu.memory_space<vmem>> -> memref<40x128xf32, #tpu.memory_space<vmem>>
    %dma_wait3A_769 = arith.constant 0 : i32
    %dma_wait3A_770 = tpu.memref_slice %arg8[%dma_wait3A_764, %dma_wait3A_769] : memref<12x40xi32, #tpu.memory_space<vmem>> -> memref<1x40xi32, #tpu.memory_space<vmem>>
    %dma_wait3A_771 = tpu.memref_squeeze %dma_wait3A_770 : memref<1x40xi32, #tpu.memory_space<vmem>> -> memref<40xi32, #tpu.memory_space<vmem>>
    %dma_wait3A_772 = arith.constant 0 : i32
    %dma_wait3A_773 = arith.constant 0 : i32
    %dma_wait3A_774 = tpu.memref_slice %arg10[%dma_wait3A_772, %dma_wait3A_773] : memref<10240x128xf32, #tpu.memory_space<vmem_shared>> -> memref<10240x128xf32, #tpu.memory_space<vmem_shared>>
    %dma_wait3A_775 = tpu.memref_slice %arg12[%dma_wait3A_765] : memref<8x!tpu.dma_semaphore, #tpu.memory_space<semaphore_mem>> -> memref<1x!tpu.dma_semaphore, #tpu.memory_space<semaphore_mem>>
    %dma_wait3A_776 = tpu.memref_squeeze %dma_wait3A_775 : memref<1x!tpu.dma_semaphore, #tpu.memory_space<semaphore_mem>> -> memref<!tpu.dma_semaphore, #tpu.memory_space<semaphore_mem>>
    tpu.wait_indirect_dma semaphore(%dma_wait3A_776 : memref<!tpu.dma_semaphore, #tpu.memory_space<semaphore_mem>>) src(%dma_wait3A_768 : memref<40x128xf32, #tpu.memory_space<vmem>>) dst(%dma_wait3A_774 : memref<10240x128xf32, #tpu.memory_space<vmem_shared>>)
    %dma_wait3A_777 = arith.constant 7 : i32
    %dma_wait3A_778 = arith.constant 7 : i32
    %dma_wait3A_779 = arith.constant 280 : i32
    %dma_wait3A_780 = arith.constant 0 : i32
    %dma_wait3A_781 = tpu.memref_slice %arg9[%dma_wait3A_779, %dma_wait3A_780] : memref<320x128xf32, #tpu.memory_space<vmem>> -> memref<40x128xf32, #tpu.memory_space<vmem>>
    %dma_wait3A_782 = arith.constant 0 : i32
    %dma_wait3A_783 = tpu.memref_slice %arg8[%dma_wait3A_777, %dma_wait3A_782] : memref<12x40xi32, #tpu.memory_space<vmem>> -> memref<1x40xi32, #tpu.memory_space<vmem>>
    %dma_wait3A_784 = tpu.memref_squeeze %dma_wait3A_783 : memref<1x40xi32, #tpu.memory_space<vmem>> -> memref<40xi32, #tpu.memory_space<vmem>>
    %dma_wait3A_785 = arith.constant 0 : i32
    %dma_wait3A_786 = arith.constant 0 : i32
    %dma_wait3A_787 = tpu.memref_slice %arg10[%dma_wait3A_785, %dma_wait3A_786] : memref<10240x128xf32, #tpu.memory_space<vmem_shared>> -> memref<10240x128xf32, #tpu.memory_space<vmem_shared>>
    %dma_wait3A_788 = tpu.memref_slice %arg12[%dma_wait3A_778] : memref<8x!tpu.dma_semaphore, #tpu.memory_space<semaphore_mem>> -> memref<1x!tpu.dma_semaphore, #tpu.memory_space<semaphore_mem>>
    %dma_wait3A_789 = tpu.memref_squeeze %dma_wait3A_788 : memref<1x!tpu.dma_semaphore, #tpu.memory_space<semaphore_mem>> -> memref<!tpu.dma_semaphore, #tpu.memory_space<semaphore_mem>>
    tpu.wait_indirect_dma semaphore(%dma_wait3A_789 : memref<!tpu.dma_semaphore, #tpu.memory_space<semaphore_mem>>) src(%dma_wait3A_781 : memref<40x128xf32, #tpu.memory_space<vmem>>) dst(%dma_wait3A_787 : memref<10240x128xf32, #tpu.memory_space<vmem_shared>>)
    %dma_wait3A_790 = arith.constant 8 : i32
    %dma_wait3A_791 = arith.constant 0 : i32
    %dma_wait3A_792 = arith.constant 0 : i32
    %dma_wait3A_793 = arith.constant 0 : i32
    %dma_wait3A_794 = tpu.memref_slice %arg9[%dma_wait3A_792, %dma_wait3A_793] : memref<320x128xf32, #tpu.memory_space<vmem>> -> memref<40x128xf32, #tpu.memory_space<vmem>>
    %dma_wait3A_795 = arith.constant 0 : i32
    %dma_wait3A_796 = tpu.memref_slice %arg8[%dma_wait3A_790, %dma_wait3A_795] : memref<12x40xi32, #tpu.memory_space<vmem>> -> memref<1x40xi32, #tpu.memory_space<vmem>>
    %dma_wait3A_797 = tpu.memref_squeeze %dma_wait3A_796 : memref<1x40xi32, #tpu.memory_space<vmem>> -> memref<40xi32, #tpu.memory_space<vmem>>
    %dma_wait3A_798 = arith.constant 0 : i32
    %dma_wait3A_799 = arith.constant 0 : i32
    %dma_wait3A_800 = tpu.memref_slice %arg10[%dma_wait3A_798, %dma_wait3A_799] : memref<10240x128xf32, #tpu.memory_space<vmem_shared>> -> memref<10240x128xf32, #tpu.memory_space<vmem_shared>>
    %dma_wait3A_801 = tpu.memref_slice %arg12[%dma_wait3A_791] : memref<8x!tpu.dma_semaphore, #tpu.memory_space<semaphore_mem>> -> memref<1x!tpu.dma_semaphore, #tpu.memory_space<semaphore_mem>>
    %dma_wait3A_802 = tpu.memref_squeeze %dma_wait3A_801 : memref<1x!tpu.dma_semaphore, #tpu.memory_space<semaphore_mem>> -> memref<!tpu.dma_semaphore, #tpu.memory_space<semaphore_mem>>
    tpu.wait_indirect_dma semaphore(%dma_wait3A_802 : memref<!tpu.dma_semaphore, #tpu.memory_space<semaphore_mem>>) src(%dma_wait3A_794 : memref<40x128xf32, #tpu.memory_space<vmem>>) dst(%dma_wait3A_800 : memref<10240x128xf32, #tpu.memory_space<vmem_shared>>)
    %dma_wait3A_803 = arith.constant 9 : i32
    %dma_wait3A_804 = arith.constant 1 : i32
    %dma_wait3A_805 = arith.constant 40 : i32
    %dma_wait3A_806 = arith.constant 0 : i32
    %dma_wait3A_807 = tpu.memref_slice %arg9[%dma_wait3A_805, %dma_wait3A_806] : memref<320x128xf32, #tpu.memory_space<vmem>> -> memref<40x128xf32, #tpu.memory_space<vmem>>
    %dma_wait3A_808 = arith.constant 0 : i32
    %dma_wait3A_809 = tpu.memref_slice %arg8[%dma_wait3A_803, %dma_wait3A_808] : memref<12x40xi32, #tpu.memory_space<vmem>> -> memref<1x40xi32, #tpu.memory_space<vmem>>
    %dma_wait3A_810 = tpu.memref_squeeze %dma_wait3A_809 : memref<1x40xi32, #tpu.memory_space<vmem>> -> memref<40xi32, #tpu.memory_space<vmem>>
    %dma_wait3A_811 = arith.constant 0 : i32
    %dma_wait3A_812 = arith.constant 0 : i32
    %dma_wait3A_813 = tpu.memref_slice %arg10[%dma_wait3A_811, %dma_wait3A_812] : memref<10240x128xf32, #tpu.memory_space<vmem_shared>> -> memref<10240x128xf32, #tpu.memory_space<vmem_shared>>
    %dma_wait3A_814 = tpu.memref_slice %arg12[%dma_wait3A_804] : memref<8x!tpu.dma_semaphore, #tpu.memory_space<semaphore_mem>> -> memref<1x!tpu.dma_semaphore, #tpu.memory_space<semaphore_mem>>
    %dma_wait3A_815 = tpu.memref_squeeze %dma_wait3A_814 : memref<1x!tpu.dma_semaphore, #tpu.memory_space<semaphore_mem>> -> memref<!tpu.dma_semaphore, #tpu.memory_space<semaphore_mem>>
    tpu.wait_indirect_dma semaphore(%dma_wait3A_815 : memref<!tpu.dma_semaphore, #tpu.memory_space<semaphore_mem>>) src(%dma_wait3A_807 : memref<40x128xf32, #tpu.memory_space<vmem>>) dst(%dma_wait3A_813 : memref<10240x128xf32, #tpu.memory_space<vmem_shared>>)
    %barrier3A_816 = arith.constant 0 : index
    tpu.barrier barrier_id(%barrier3A_816)
    %add3A_817 = arith.constant 0 : i32
    %add3A_818 = arith.addi %mul3A_10, %add3A_817 : i32
    "tpu.region"() ({
      %run_scoped3A = tpu.sem_alloc : memref<!tpu.dma_semaphore, #tpu.memory_space<semaphore_mem>>
      %dma_start3A_838 = arith.constant 0 : i32
      %dma_start3A_839 = arith.constant 0 : i32
      %dma_start3A_840 = tpu.memref_slice %arg9[%dma_start3A_838, %dma_start3A_839] : memref<320x128xf32, #tpu.memory_space<vmem>> -> memref<320x128xf32, #tpu.memory_space<vmem>>
      %dma_start3A_841 = arith.constant 0 : i32
      %dma_start3A_842 = tpu.memref_slice %arg10[%add3A_818, %dma_start3A_841] : memref<10240x128xf32, #tpu.memory_space<vmem_shared>> -> memref<320x128xf32, #tpu.memory_space<vmem_shared>>
      %dma_start3A_843 = arith.constant 0 : i32
      %dma_start3A_844 = arith.constant 0 : i32
      %dma_start3A_845 = tpu.memref_slice %arg9[%dma_start3A_843, %dma_start3A_844] : memref<320x128xf32, #tpu.memory_space<vmem>> -> memref<320x128xf32, #tpu.memory_space<vmem>>
      %dma_start3A_846 = arith.constant 0 : i32
      %dma_start3A_847 = tpu.memref_slice %arg10[%add3A_818, %dma_start3A_846] : memref<10240x128xf32, #tpu.memory_space<vmem_shared>> -> memref<320x128xf32, #tpu.memory_space<vmem_shared>>
      tpu.enqueue_dma source(%dma_start3A_847 : memref<320x128xf32, #tpu.memory_space<vmem_shared>>) target(%dma_start3A_845 : memref<320x128xf32, #tpu.memory_space<vmem>>) target_semaphore(%run_scoped3A : memref<!tpu.dma_semaphore, #tpu.memory_space<semaphore_mem>>)
      %dma_wait3A_848 = arith.constant 0 : i32
      %dma_wait3A_849 = arith.constant 0 : i32
      %dma_wait3A_850 = tpu.memref_slice %arg9[%dma_wait3A_848, %dma_wait3A_849] : memref<320x128xf32, #tpu.memory_space<vmem>> -> memref<320x128xf32, #tpu.memory_space<vmem>>
      %dma_wait3A_851 = arith.constant 0 : i32
      %dma_wait3A_852 = tpu.memref_slice %arg10[%add3A_818, %dma_wait3A_851] : memref<10240x128xf32, #tpu.memory_space<vmem_shared>> -> memref<320x128xf32, #tpu.memory_space<vmem_shared>>
      %dma_wait3A_853 = arith.constant 0 : i32
      %dma_wait3A_854 = arith.constant 0 : i32
      %dma_wait3A_855 = tpu.memref_slice %arg9[%dma_wait3A_853, %dma_wait3A_854] : memref<320x128xf32, #tpu.memory_space<vmem>> -> memref<320x128xf32, #tpu.memory_space<vmem>>
      %dma_wait3A_856 = arith.constant 0 : i32
      %dma_wait3A_857 = tpu.memref_slice %arg10[%add3A_818, %dma_wait3A_856] : memref<10240x128xf32, #tpu.memory_space<vmem_shared>> -> memref<320x128xf32, #tpu.memory_space<vmem_shared>>
      tpu.wait_dma2 semaphore(%run_scoped3A : memref<!tpu.dma_semaphore, #tpu.memory_space<semaphore_mem>>) src(%dma_wait3A_857 : memref<320x128xf32, #tpu.memory_space<vmem_shared>>) dst(%dma_wait3A_855 : memref<320x128xf32, #tpu.memory_space<vmem>>)
      tpu.yield
    }) : () -> ()
    %eq3A = arith.constant 0 : i32
    %eq3A_819 = arith.cmpi eq, %arg0, %eq3A : i32
    %convert_element_type3A = arith.extui %eq3A_819 : i1 to i32
    %cond3A = arith.constant 0 : i32
    %cond3A_820 = arith.cmpi ne, %convert_element_type3A, %cond3A : i32
    scf.if %cond3A_820 {
      "tpu.region"() ({
        %run_scoped3A = tpu.sem_alloc : memref<!tpu.dma_semaphore, #tpu.memory_space<semaphore_mem>>
        %dma_start3A_838 = arith.constant 0 : i32
        %dma_start3A_839 = arith.constant 0 : i32
        %dma_start3A_840 = tpu.memref_slice %arg9[%dma_start3A_838, %dma_start3A_839] : memref<320x128xf32, #tpu.memory_space<vmem>> -> memref<320x128xf32, #tpu.memory_space<vmem>>
        %dma_start3A_841 = arith.constant 0 : i32
        %dma_start3A_842 = tpu.memref_slice %arg5[%add3A_818, %dma_start3A_841] : memref<10240x128xf32, #tpu.memory_space<hbm>> -> memref<320x128xf32, #tpu.memory_space<hbm>>
        %dma_start3A_843 = arith.constant 0 : i32
        %dma_start3A_844 = tpu.memref_slice %arg5[%add3A_818, %dma_start3A_843] : memref<10240x128xf32, #tpu.memory_space<hbm>> -> memref<320x128xf32, #tpu.memory_space<hbm>>
        %dma_start3A_845 = arith.constant 0 : i32
        %dma_start3A_846 = arith.constant 0 : i32
        %dma_start3A_847 = tpu.memref_slice %arg9[%dma_start3A_845, %dma_start3A_846] : memref<320x128xf32, #tpu.memory_space<vmem>> -> memref<320x128xf32, #tpu.memory_space<vmem>>
        tpu.enqueue_dma source(%dma_start3A_847 : memref<320x128xf32, #tpu.memory_space<vmem>>) target(%dma_start3A_844 : memref<320x128xf32, #tpu.memory_space<hbm>>) target_semaphore(%run_scoped3A : memref<!tpu.dma_semaphore, #tpu.memory_space<semaphore_mem>>)
        %dma_wait3A_848 = arith.constant 0 : i32
        %dma_wait3A_849 = arith.constant 0 : i32
        %dma_wait3A_850 = tpu.memref_slice %arg9[%dma_wait3A_848, %dma_wait3A_849] : memref<320x128xf32, #tpu.memory_space<vmem>> -> memref<320x128xf32, #tpu.memory_space<vmem>>
        %dma_wait3A_851 = arith.constant 0 : i32
        %dma_wait3A_852 = tpu.memref_slice %arg5[%add3A_818, %dma_wait3A_851] : memref<10240x128xf32, #tpu.memory_space<hbm>> -> memref<320x128xf32, #tpu.memory_space<hbm>>
        %dma_wait3A_853 = arith.constant 0 : i32
        %dma_wait3A_854 = tpu.memref_slice %arg5[%add3A_818, %dma_wait3A_853] : memref<10240x128xf32, #tpu.memory_space<hbm>> -> memref<320x128xf32, #tpu.memory_space<hbm>>
        %dma_wait3A_855 = arith.constant 0 : i32
        %dma_wait3A_856 = arith.constant 0 : i32
        %dma_wait3A_857 = tpu.memref_slice %arg9[%dma_wait3A_855, %dma_wait3A_856] : memref<320x128xf32, #tpu.memory_space<vmem>> -> memref<320x128xf32, #tpu.memory_space<vmem>>
        tpu.wait_dma2 semaphore(%run_scoped3A : memref<!tpu.dma_semaphore, #tpu.memory_space<semaphore_mem>>) src(%dma_wait3A_857 : memref<320x128xf32, #tpu.memory_space<vmem>>) dst(%dma_wait3A_854 : memref<320x128xf32, #tpu.memory_space<hbm>>)
        tpu.yield
      }) : () -> ()
    } else {
    }
    %eq3A_821 = arith.constant 1 : i32
    %eq3A_822 = arith.cmpi eq, %arg0, %eq3A_821 : i32
    %convert_element_type3A_823 = arith.extui %eq3A_822 : i1 to i32
    %cond3A_824 = arith.constant 0 : i32
    %cond3A_825 = arith.cmpi ne, %convert_element_type3A_823, %cond3A_824 : i32
    scf.if %cond3A_825 {
      "tpu.region"() ({
        %run_scoped3A = tpu.sem_alloc : memref<!tpu.dma_semaphore, #tpu.memory_space<semaphore_mem>>
        %dma_start3A_838 = arith.constant 0 : i32
        %dma_start3A_839 = arith.constant 0 : i32
        %dma_start3A_840 = tpu.memref_slice %arg9[%dma_start3A_838, %dma_start3A_839] : memref<320x128xf32, #tpu.memory_space<vmem>> -> memref<320x128xf32, #tpu.memory_space<vmem>>
        %dma_start3A_841 = arith.constant 0 : i32
        %dma_start3A_842 = tpu.memref_slice %arg6[%add3A_818, %dma_start3A_841] : memref<10240x128xf32, #tpu.memory_space<hbm>> -> memref<320x128xf32, #tpu.memory_space<hbm>>
        %dma_start3A_843 = arith.constant 0 : i32
        %dma_start3A_844 = tpu.memref_slice %arg6[%add3A_818, %dma_start3A_843] : memref<10240x128xf32, #tpu.memory_space<hbm>> -> memref<320x128xf32, #tpu.memory_space<hbm>>
        %dma_start3A_845 = arith.constant 0 : i32
        %dma_start3A_846 = arith.constant 0 : i32
        %dma_start3A_847 = tpu.memref_slice %arg9[%dma_start3A_845, %dma_start3A_846] : memref<320x128xf32, #tpu.memory_space<vmem>> -> memref<320x128xf32, #tpu.memory_space<vmem>>
        tpu.enqueue_dma source(%dma_start3A_847 : memref<320x128xf32, #tpu.memory_space<vmem>>) target(%dma_start3A_844 : memref<320x128xf32, #tpu.memory_space<hbm>>) target_semaphore(%run_scoped3A : memref<!tpu.dma_semaphore, #tpu.memory_space<semaphore_mem>>)
        %dma_wait3A_848 = arith.constant 0 : i32
        %dma_wait3A_849 = arith.constant 0 : i32
        %dma_wait3A_850 = tpu.memref_slice %arg9[%dma_wait3A_848, %dma_wait3A_849] : memref<320x128xf32, #tpu.memory_space<vmem>> -> memref<320x128xf32, #tpu.memory_space<vmem>>
        %dma_wait3A_851 = arith.constant 0 : i32
        %dma_wait3A_852 = tpu.memref_slice %arg6[%add3A_818, %dma_wait3A_851] : memref<10240x128xf32, #tpu.memory_space<hbm>> -> memref<320x128xf32, #tpu.memory_space<hbm>>
        %dma_wait3A_853 = arith.constant 0 : i32
        %dma_wait3A_854 = tpu.memref_slice %arg6[%add3A_818, %dma_wait3A_853] : memref<10240x128xf32, #tpu.memory_space<hbm>> -> memref<320x128xf32, #tpu.memory_space<hbm>>
        %dma_wait3A_855 = arith.constant 0 : i32
        %dma_wait3A_856 = arith.constant 0 : i32
        %dma_wait3A_857 = tpu.memref_slice %arg9[%dma_wait3A_855, %dma_wait3A_856] : memref<320x128xf32, #tpu.memory_space<vmem>> -> memref<320x128xf32, #tpu.memory_space<vmem>>
        tpu.wait_dma2 semaphore(%run_scoped3A : memref<!tpu.dma_semaphore, #tpu.memory_space<semaphore_mem>>) src(%dma_wait3A_857 : memref<320x128xf32, #tpu.memory_space<vmem>>) dst(%dma_wait3A_854 : memref<320x128xf32, #tpu.memory_space<hbm>>)
        tpu.yield
      }) : () -> ()
    } else {
    }
    %add3A_826 = arith.constant 320 : i32
    %add3A_827 = arith.addi %mul3A_10, %add3A_826 : i32
    "tpu.region"() ({
      %run_scoped3A = tpu.sem_alloc : memref<!tpu.dma_semaphore, #tpu.memory_space<semaphore_mem>>
      %dma_start3A_838 = arith.constant 0 : i32
      %dma_start3A_839 = arith.constant 0 : i32
      %dma_start3A_840 = tpu.memref_slice %arg9[%dma_start3A_838, %dma_start3A_839] : memref<320x128xf32, #tpu.memory_space<vmem>> -> memref<320x128xf32, #tpu.memory_space<vmem>>
      %dma_start3A_841 = arith.constant 0 : i32
      %dma_start3A_842 = tpu.memref_slice %arg10[%add3A_827, %dma_start3A_841] : memref<10240x128xf32, #tpu.memory_space<vmem_shared>> -> memref<320x128xf32, #tpu.memory_space<vmem_shared>>
      %dma_start3A_843 = arith.constant 0 : i32
      %dma_start3A_844 = arith.constant 0 : i32
      %dma_start3A_845 = tpu.memref_slice %arg9[%dma_start3A_843, %dma_start3A_844] : memref<320x128xf32, #tpu.memory_space<vmem>> -> memref<320x128xf32, #tpu.memory_space<vmem>>
      %dma_start3A_846 = arith.constant 0 : i32
      %dma_start3A_847 = tpu.memref_slice %arg10[%add3A_827, %dma_start3A_846] : memref<10240x128xf32, #tpu.memory_space<vmem_shared>> -> memref<320x128xf32, #tpu.memory_space<vmem_shared>>
      tpu.enqueue_dma source(%dma_start3A_847 : memref<320x128xf32, #tpu.memory_space<vmem_shared>>) target(%dma_start3A_845 : memref<320x128xf32, #tpu.memory_space<vmem>>) target_semaphore(%run_scoped3A : memref<!tpu.dma_semaphore, #tpu.memory_space<semaphore_mem>>)
      %dma_wait3A_848 = arith.constant 0 : i32
      %dma_wait3A_849 = arith.constant 0 : i32
      %dma_wait3A_850 = tpu.memref_slice %arg9[%dma_wait3A_848, %dma_wait3A_849] : memref<320x128xf32, #tpu.memory_space<vmem>> -> memref<320x128xf32, #tpu.memory_space<vmem>>
      %dma_wait3A_851 = arith.constant 0 : i32
      %dma_wait3A_852 = tpu.memref_slice %arg10[%add3A_827, %dma_wait3A_851] : memref<10240x128xf32, #tpu.memory_space<vmem_shared>> -> memref<320x128xf32, #tpu.memory_space<vmem_shared>>
      %dma_wait3A_853 = arith.constant 0 : i32
      %dma_wait3A_854 = arith.constant 0 : i32
      %dma_wait3A_855 = tpu.memref_slice %arg9[%dma_wait3A_853, %dma_wait3A_854] : memref<320x128xf32, #tpu.memory_space<vmem>> -> memref<320x128xf32, #tpu.memory_space<vmem>>
      %dma_wait3A_856 = arith.constant 0 : i32
      %dma_wait3A_857 = tpu.memref_slice %arg10[%add3A_827, %dma_wait3A_856] : memref<10240x128xf32, #tpu.memory_space<vmem_shared>> -> memref<320x128xf32, #tpu.memory_space<vmem_shared>>
      tpu.wait_dma2 semaphore(%run_scoped3A : memref<!tpu.dma_semaphore, #tpu.memory_space<semaphore_mem>>) src(%dma_wait3A_857 : memref<320x128xf32, #tpu.memory_space<vmem_shared>>) dst(%dma_wait3A_855 : memref<320x128xf32, #tpu.memory_space<vmem>>)
      tpu.yield
    }) : () -> ()
    %eq3A_828 = arith.constant 0 : i32
    %eq3A_829 = arith.cmpi eq, %arg0, %eq3A_828 : i32
    %convert_element_type3A_830 = arith.extui %eq3A_829 : i1 to i32
    %cond3A_831 = arith.constant 0 : i32
    %cond3A_832 = arith.cmpi ne, %convert_element_type3A_830, %cond3A_831 : i32
    scf.if %cond3A_832 {
      "tpu.region"() ({
        %run_scoped3A = tpu.sem_alloc : memref<!tpu.dma_semaphore, #tpu.memory_space<semaphore_mem>>
        %dma_start3A_838 = arith.constant 0 : i32
        %dma_start3A_839 = arith.constant 0 : i32
        %dma_start3A_840 = tpu.memref_slice %arg9[%dma_start3A_838, %dma_start3A_839] : memref<320x128xf32, #tpu.memory_space<vmem>> -> memref<320x128xf32, #tpu.memory_space<vmem>>
        %dma_start3A_841 = arith.constant 0 : i32
        %dma_start3A_842 = tpu.memref_slice %arg5[%add3A_827, %dma_start3A_841] : memref<10240x128xf32, #tpu.memory_space<hbm>> -> memref<320x128xf32, #tpu.memory_space<hbm>>
        %dma_start3A_843 = arith.constant 0 : i32
        %dma_start3A_844 = tpu.memref_slice %arg5[%add3A_827, %dma_start3A_843] : memref<10240x128xf32, #tpu.memory_space<hbm>> -> memref<320x128xf32, #tpu.memory_space<hbm>>
        %dma_start3A_845 = arith.constant 0 : i32
        %dma_start3A_846 = arith.constant 0 : i32
        %dma_start3A_847 = tpu.memref_slice %arg9[%dma_start3A_845, %dma_start3A_846] : memref<320x128xf32, #tpu.memory_space<vmem>> -> memref<320x128xf32, #tpu.memory_space<vmem>>
        tpu.enqueue_dma source(%dma_start3A_847 : memref<320x128xf32, #tpu.memory_space<vmem>>) target(%dma_start3A_844 : memref<320x128xf32, #tpu.memory_space<hbm>>) target_semaphore(%run_scoped3A : memref<!tpu.dma_semaphore, #tpu.memory_space<semaphore_mem>>)
        %dma_wait3A_848 = arith.constant 0 : i32
        %dma_wait3A_849 = arith.constant 0 : i32
        %dma_wait3A_850 = tpu.memref_slice %arg9[%dma_wait3A_848, %dma_wait3A_849] : memref<320x128xf32, #tpu.memory_space<vmem>> -> memref<320x128xf32, #tpu.memory_space<vmem>>
        %dma_wait3A_851 = arith.constant 0 : i32
        %dma_wait3A_852 = tpu.memref_slice %arg5[%add3A_827, %dma_wait3A_851] : memref<10240x128xf32, #tpu.memory_space<hbm>> -> memref<320x128xf32, #tpu.memory_space<hbm>>
        %dma_wait3A_853 = arith.constant 0 : i32
        %dma_wait3A_854 = tpu.memref_slice %arg5[%add3A_827, %dma_wait3A_853] : memref<10240x128xf32, #tpu.memory_space<hbm>> -> memref<320x128xf32, #tpu.memory_space<hbm>>
        %dma_wait3A_855 = arith.constant 0 : i32
        %dma_wait3A_856 = arith.constant 0 : i32
        %dma_wait3A_857 = tpu.memref_slice %arg9[%dma_wait3A_855, %dma_wait3A_856] : memref<320x128xf32, #tpu.memory_space<vmem>> -> memref<320x128xf32, #tpu.memory_space<vmem>>
        tpu.wait_dma2 semaphore(%run_scoped3A : memref<!tpu.dma_semaphore, #tpu.memory_space<semaphore_mem>>) src(%dma_wait3A_857 : memref<320x128xf32, #tpu.memory_space<vmem>>) dst(%dma_wait3A_854 : memref<320x128xf32, #tpu.memory_space<hbm>>)
        tpu.yield
      }) : () -> ()
    } else {
    }
    %eq3A_833 = arith.constant 1 : i32
    %eq3A_834 = arith.cmpi eq, %arg0, %eq3A_833 : i32
    %convert_element_type3A_835 = arith.extui %eq3A_834 : i1 to i32
    %cond3A_836 = arith.constant 0 : i32
    %cond3A_837 = arith.cmpi ne, %convert_element_type3A_835, %cond3A_836 : i32
    scf.if %cond3A_837 {
      "tpu.region"() ({
        %run_scoped3A = tpu.sem_alloc : memref<!tpu.dma_semaphore, #tpu.memory_space<semaphore_mem>>
        %dma_start3A_838 = arith.constant 0 : i32
        %dma_start3A_839 = arith.constant 0 : i32
        %dma_start3A_840 = tpu.memref_slice %arg9[%dma_start3A_838, %dma_start3A_839] : memref<320x128xf32, #tpu.memory_space<vmem>> -> memref<320x128xf32, #tpu.memory_space<vmem>>
        %dma_start3A_841 = arith.constant 0 : i32
        %dma_start3A_842 = tpu.memref_slice %arg6[%add3A_827, %dma_start3A_841] : memref<10240x128xf32, #tpu.memory_space<hbm>> -> memref<320x128xf32, #tpu.memory_space<hbm>>
        %dma_start3A_843 = arith.constant 0 : i32
        %dma_start3A_844 = tpu.memref_slice %arg6[%add3A_827, %dma_start3A_843] : memref<10240x128xf32, #tpu.memory_space<hbm>> -> memref<320x128xf32, #tpu.memory_space<hbm>>
        %dma_start3A_845 = arith.constant 0 : i32
        %dma_start3A_846 = arith.constant 0 : i32
        %dma_start3A_847 = tpu.memref_slice %arg9[%dma_start3A_845, %dma_start3A_846] : memref<320x128xf32, #tpu.memory_space<vmem>> -> memref<320x128xf32, #tpu.memory_space<vmem>>
        tpu.enqueue_dma source(%dma_start3A_847 : memref<320x128xf32, #tpu.memory_space<vmem>>) target(%dma_start3A_844 : memref<320x128xf32, #tpu.memory_space<hbm>>) target_semaphore(%run_scoped3A : memref<!tpu.dma_semaphore, #tpu.memory_space<semaphore_mem>>)
        %dma_wait3A_848 = arith.constant 0 : i32
        %dma_wait3A_849 = arith.constant 0 : i32
        %dma_wait3A_850 = tpu.memref_slice %arg9[%dma_wait3A_848, %dma_wait3A_849] : memref<320x128xf32, #tpu.memory_space<vmem>> -> memref<320x128xf32, #tpu.memory_space<vmem>>
        %dma_wait3A_851 = arith.constant 0 : i32
        %dma_wait3A_852 = tpu.memref_slice %arg6[%add3A_827, %dma_wait3A_851] : memref<10240x128xf32, #tpu.memory_space<hbm>> -> memref<320x128xf32, #tpu.memory_space<hbm>>
        %dma_wait3A_853 = arith.constant 0 : i32
        %dma_wait3A_854 = tpu.memref_slice %arg6[%add3A_827, %dma_wait3A_853] : memref<10240x128xf32, #tpu.memory_space<hbm>> -> memref<320x128xf32, #tpu.memory_space<hbm>>
        %dma_wait3A_855 = arith.constant 0 : i32
        %dma_wait3A_856 = arith.constant 0 : i32
        %dma_wait3A_857 = tpu.memref_slice %arg9[%dma_wait3A_855, %dma_wait3A_856] : memref<320x128xf32, #tpu.memory_space<vmem>> -> memref<320x128xf32, #tpu.memory_space<vmem>>
        tpu.wait_dma2 semaphore(%run_scoped3A : memref<!tpu.dma_semaphore, #tpu.memory_space<semaphore_mem>>) src(%dma_wait3A_857 : memref<320x128xf32, #tpu.memory_space<vmem>>) dst(%dma_wait3A_854 : memref<320x128xf32, #tpu.memory_space<hbm>>)
        tpu.yield
      }) : () -> ()
    } else {
    }
    return
  }
}

module attributes {stable_mosaic.version = 14 : i64} {
  func.func @_mlp_body(%arg0: i32, %arg1: memref<2000x128xf32, #tpu.memory_space<vmem>>, %arg2: memref<2000x128xf32, #tpu.memory_space<vmem>>, %arg3: memref<2000x128xf32, #tpu.memory_space<vmem>>, %arg4: memref<128x128xf32, #tpu.memory_space<vmem>>, %arg5: memref<128xf32, #tpu.memory_space<vmem>>, %arg6: memref<128x128xf32, #tpu.memory_space<vmem>>, %arg7: memref<128xf32, #tpu.memory_space<vmem>>, %arg8: memref<2000x128xf32, #tpu.memory_space<vmem>>) attributes {dimension_semantics = [#tpu.dimension_semantics<arbitrary>], iteration_bounds = array<i64: 5>, scalar_prefetch = 0 : i64, scratch_operands = 0 : i64, tpu.core_type = #tpu.core_type<tc>, window_params = [{transform_indices = @transform_0, window_bounds = array<i64: 2000, 128>}, {transform_indices = @transform_1, window_bounds = array<i64: 2000, 128>}, {transform_indices = @transform_2, window_bounds = array<i64: 2000, 128>}, {pipeline_mode = #tpu.pipeline_mode<synchronous>, transform_indices = @transform_3, window_bounds = array<i64: 128, 128>}, {pipeline_mode = #tpu.pipeline_mode<synchronous>, transform_indices = @transform_4, window_bounds = array<i64: 128>}, {pipeline_mode = #tpu.pipeline_mode<synchronous>, transform_indices = @transform_5, window_bounds = array<i64: 128, 128>}, {pipeline_mode = #tpu.pipeline_mode<synchronous>, transform_indices = @transform_6, window_bounds = array<i64: 128>}, {transform_indices = @transform_7, window_bounds = array<i64: 2000, 128>}]} {
    %get3A = arith.constant 0 : index
    %get3A_0 = arith.constant 0 : index
    %get3A_1 = vector.load %arg1[%get3A, %get3A_0] : memref<2000x128xf32, #tpu.memory_space<vmem>>, vector<2000x128xf32>
    %get3A_2 = arith.constant 0 : index
    %get3A_3 = arith.constant 0 : index
    %get3A_4 = vector.load %arg2[%get3A_2, %get3A_3] : memref<2000x128xf32, #tpu.memory_space<vmem>>, vector<2000x128xf32>
    %add3A = arith.addf %get3A_1, %get3A_4 : vector<2000x128xf32>
    %get3A_5 = arith.constant 0 : index
    %get3A_6 = arith.constant 0 : index
    %get3A_7 = vector.load %arg3[%get3A_5, %get3A_6] : memref<2000x128xf32, #tpu.memory_space<vmem>>, vector<2000x128xf32>
    %add3A_8 = arith.addf %add3A, %get3A_7 : vector<2000x128xf32>
    %get3A_9 = arith.constant 0 : index
    %get3A_10 = arith.constant 0 : index
    %get3A_11 = vector.load %arg4[%get3A_9, %get3A_10] : memref<128x128xf32, #tpu.memory_space<vmem>>, vector<128x128xf32>
    %dot_general3A = arith.constant dense<0.000000e+00> : vector<2000x128xf32>
    %dot_general3A_12 = tpu.matmul %add3A_8, %get3A_11, %dot_general3A {dimension_numbers = #tpu.dot_dimension_numbers<[1], [1], [0], [0], [0, 0, 1, 0], [], []>, transpose_lhs_hint = false} : vector<2000x128xf32>, vector<128x128xf32>, vector<2000x128xf32> -> vector<2000x128xf32>
    %get3A_13 = arith.constant 0 : index
    %get3A_14 = vector.load %arg5[%get3A_13] : memref<128xf32, #tpu.memory_space<vmem>>, vector<128xf32>
    %broadcast_in_dim3A = vector.shape_cast %get3A_14 : vector<128xf32> to vector<1x128xf32>
    %add3A_15 = vector.broadcast %broadcast_in_dim3A : vector<1x128xf32> to vector<2000x128xf32>
    %add3A_16 = arith.addf %dot_general3A_12, %add3A_15 : vector<2000x128xf32>
    %max3A = arith.constant 0.000000e+00 : f32
    %max3A_17 = vector.broadcast %max3A : f32 to vector<2000x128xf32>
    %max3A_18 = arith.maximumf %add3A_16, %max3A_17 : vector<2000x128xf32>
    %get3A_19 = arith.constant 0 : index
    %get3A_20 = arith.constant 0 : index
    %get3A_21 = vector.load %arg6[%get3A_19, %get3A_20] : memref<128x128xf32, #tpu.memory_space<vmem>>, vector<128x128xf32>
    %dot_general3A_22 = arith.constant dense<0.000000e+00> : vector<2000x128xf32>
    %dot_general3A_23 = tpu.matmul %max3A_18, %get3A_21, %dot_general3A_22 {dimension_numbers = #tpu.dot_dimension_numbers<[1], [1], [0], [0], [0, 0, 1, 0], [], []>, transpose_lhs_hint = false} : vector<2000x128xf32>, vector<128x128xf32>, vector<2000x128xf32> -> vector<2000x128xf32>
    %get3A_24 = arith.constant 0 : index
    %get3A_25 = vector.load %arg7[%get3A_24] : memref<128xf32, #tpu.memory_space<vmem>>, vector<128xf32>
    %broadcast_in_dim3A_26 = vector.shape_cast %get3A_25 : vector<128xf32> to vector<1x128xf32>
    %add3A_27 = vector.broadcast %broadcast_in_dim3A_26 : vector<1x128xf32> to vector<2000x128xf32>
    %add3A_28 = arith.addf %dot_general3A_23, %add3A_27 : vector<2000x128xf32>
    %max3A_29 = arith.constant 0.000000e+00 : f32
    %max3A_30 = vector.broadcast %max3A_29 : f32 to vector<2000x128xf32>
    %max3A_31 = arith.maximumf %add3A_28, %max3A_30 : vector<2000x128xf32>
    %swap3A = arith.constant 0 : index
    %swap3A_32 = arith.constant 0 : index
    %swap3A_33 = vector.load %arg8[%swap3A, %swap3A_32] : memref<2000x128xf32, #tpu.memory_space<vmem>>, vector<2000x128xf32>
    tpu.vector_store %arg8[%swap3A, %swap3A_32], %max3A_31 {strides = array<i32>} : memref<2000x128xf32, #tpu.memory_space<vmem>>, vector<2000x128xf32>,
    return
  }
  func.func @transform_0(%arg0: i32) -> (i32, i32) {
    %c0_i32 = arith.constant 0 : i32
    %c0_i32_0 = arith.constant 0 : i32
    return %arg0, %c0_i32 : i32, i32
  }
  func.func @transform_1(%arg0: i32) -> (i32, i32) {
    %c0_i32 = arith.constant 0 : i32
    %c0_i32_0 = arith.constant 0 : i32
    return %arg0, %c0_i32 : i32, i32
  }
  func.func @transform_2(%arg0: i32) -> (i32, i32) {
    %c0_i32 = arith.constant 0 : i32
    %c0_i32_0 = arith.constant 0 : i32
    return %arg0, %c0_i32 : i32, i32
  }
  func.func @transform_3(%arg0: i32) -> (i32, i32) {
    %c0_i32 = arith.constant 0 : i32
    %c0_i32_0 = arith.constant 0 : i32
    %c0_i32_1 = arith.constant 0 : i32
    return %c0_i32, %c0_i32_0 : i32, i32
  }
  func.func @transform_4(%arg0: i32) -> i32 {
    %c0_i32 = arith.constant 0 : i32
    %c0_i32_0 = arith.constant 0 : i32
    return %c0_i32 : i32
  }
  func.func @transform_5(%arg0: i32) -> (i32, i32) {
    %c0_i32 = arith.constant 0 : i32
    %c0_i32_0 = arith.constant 0 : i32
    %c0_i32_1 = arith.constant 0 : i32
    return %c0_i32, %c0_i32_0 : i32, i32
  }
  func.func @transform_6(%arg0: i32) -> i32 {
    %c0_i32 = arith.constant 0 : i32
    %c0_i32_0 = arith.constant 0 : i32
    return %c0_i32 : i32
  }
  func.func @transform_7(%arg0: i32) -> (i32, i32) {
    %c0_i32 = arith.constant 0 : i32
    %c0_i32_0 = arith.constant 0 : i32
    return %arg0, %c0_i32 : i32, i32
  }
}

</mosaic_0001>

<sc_bundles>
// kernel: kernel.4.cloned.1.call-start
scs
__scs_entry_jumppad:
0x0: {  	(pc) =	sbr.rel $0x88, $3  }
0x1: {  	(tag) =	ssettag $0x0;
	lr =	simm.s32 $0x1  }
0x2: {  	[smem:$0x3F9B] =	sst lr;
	_ =	strace $0xD0000000  }
0x3: {  	_ = 	snop  }
0x4: {  	_ = 	snop  }
0x5: {  	_ = 	snop  }
0x6: {  	_ = 	snop  }
0x7: {  	_ = 	snop  }
__scs_overlays_trampoline_lowered:
0x8: {  	[smem:$0x3FAA] =	sst s0  }
0x9: {  	[smem:$0x3FAB] =	sst s1  }
0xa: {  	[smem:$0x3FAC] =	sst s2  }
0xb: {  	[smem:$0x3FAD] =	sst s3  }
0xc: {  	[smem:$0x3FAE] =	sst s4  }
0xd: {  	[smem:$0x3FAF] =	sst s5  }
0xe: {  	[smem:$0x3FB0] =	sst s6  }
0xf: {  	[smem:$0x3FB1] =	sst s7  }
0x10: {  	[smem:$0x3FB2] =	sst s8  }
0x11: {  	[smem:$0x3FB3] =	sst s9;
	s0 =	simm.s32 @!p0 $0x0  }
0x12: {  	s1 =	sld [smem:$0x3F99];
	s0 =	simm.s32 @p0 $0x1  }
0x13: {  	[smem:$0x3FB4] =	sst s0;
	s0 =	simm.s32 @!p1 $0x0  }
0x14: {  	s2 =	sld [smem:$0x3F98];
	s0 =	simm.s32 @p1 $0x1  }
0x15: {  	[smem:$0x3FB5] =	sst s0;
	s0 =	simm.s32 @!p2 $0x0  }
0x16: {  	s3 =	sld [smem:$0x3FDB];
	s0 =	simm.s32 @p2 $0x1  }
0x17: {  	s4 =	simm.s32 $0x1BF5;
	[smem:$0x3FB7] =	sst s0  }
0x18: {  	s0 =	sld [smem:$0x3F9A];
	_ =	swait.ge [sflag:s4], $0x0  }
0x19: {  	s7 =	sld [smem:$0x3F9B]  }
0x1a: {  	s8 =	sadd.s32 $0xFFFFE003, lr  }
0x1b: {  	s9 =	sadd.s32 $0xFFFFFEF7, lr;
	s5 =	simm.s32 $0xFFFFFFFF;
	p2 =	slt.u32 s8, $0xFFFFF086  }
0x1c: {  	p1 =	slt.u32 s9, $0xF7A;
	s5 =	simm.s32 @!p2 $0x0  }
0x1d: {  	s5 =	simm.s32 @p1 $0x1;
	p0 =	seq.s32 s7, s2  }
0x1e: {  	s7 =	smul.u32 @!p0 $0xF7A, s2;
	p2 =	seq.s32 @!p0 s5, $0x0  }
0x1f: {  	s9 =	smul.u32 $0xF7A, s1;
	s8 =	simm.s32 @!p0 $0x1BF5;
	p2 =	por !p2, p0  }
0x20: {  	[sflag:s8] =	ssyncset.s32 @!p0 $0xFFFFF086;
	s6 =	sadd.s32 @!p0 s3, s7;
	s7 =	simm.s32 @!p0 $0x108  }
0x21: {  	s3 =	sadd.s32 s3, s9;
	s6 =	sadd.s32 @!p0 $0x88, s6;
	s7 =	simm.s32 @p2 $0x1082  }
0x22: {  	[simem:s7], [sflag:s8] =	dma.local @!p0 [hbm:s6], $0xF7A  }
0x23: {  	s9 =	sor.u32 $0xD0000000, s2;
	s6 =	simm.s32 $0x108;
	_ =	swait.ge @!p0 [sflag:s8], $0x0  }
0x24: {  	s3 =	sadd.s32 $0x88, s3;
	s6 =	simm.s32 @!p1 $0x1082;
	[sflag:s4] =	ssyncset.s32 $0xFFFFF086  }
0x25: {  	[simem:s6], [sflag:s4] =	dma.local [hbm:s3], $0xF7A  }
0x26: {  	[smem:$0x3F9B] =	sst s1;
	(tag) =	ssettag s2;
	_ =	strace s9  }
0x27: {  	s1 =	sld [smem:$0x3FAB]  }
0x28: {  	s2 =	sld [smem:$0x3FAC]  }
0x29: {  	s4 =	sld [smem:$0x3FAE]  }
0x2a: {  	p0 =	seq.s32 s5, $0x0;
	s5 =	sld [smem:$0x3FAF]  }
0x2b: {  	s6 =	sld [smem:$0x3FB0]  }
0x2c: {  	s7 =	sld [smem:$0x3FB1]  }
0x2d: {  	s3 =	simm.s32 $0x108;
	s8 =	sld [smem:$0x3FB2]  }
0x2e: {  	s3 =	simm.s32 @!p0 $0x1082;
	s9 =	sld [smem:$0x3FB3]  }
0x2f: {  	lr =	sadd.s32 s0, s3;
	s0 =	sld [smem:$0x3FAA]  }
0x30: {  	s3 =	sld [smem:$0x3FAD]  }
0x31: {  	[smem:$0x3FB6] =	sst s10  }
0x32: {  	s10 =	sld [smem:$0x3FB4];
	_ =	sdelay $0x3  }
0x33: {  	p0 =	seq.s32 s10, $0x1;
	s10 =	sld [smem:$0x3FB6];
	_ =	sdelay $0x3  }
0x34: {  	[smem:$0x3FB6] =	sst s10  }
0x35: {  	s10 =	sld [smem:$0x3FB5];
	_ =	sdelay $0x3  }
0x36: {  	p1 =	seq.s32 s10, $0x1;
	s10 =	sld [smem:$0x3FB6];
	_ =	sdelay $0x3  }
0x37: {  	[smem:$0x3FB6] =	sst s10  }
0x38: {  	s10 =	sld [smem:$0x3FB7]  }
0x39: {  	_ = 	snop;
	(pc) =	sbr.ind lr, $3  }
0x3a: {  	_ = 	snop  }
0x3b: {  	_ = 	snop  }
0x3c: {  	p2 =	seq.s32 s10, $0x1;
	s10 =	sld [smem:$0x3FB6]  }
0x3d: {  	_ =	shalt  }
0x3e: {  	_ =	shalt  }
0x3f: {  	_ =	shalt  }
0x40: {  	_ =	shalt  }
0x41: {  	_ =	shalt  }
0x42: {  	_ =	shalt  }
0x43: {  	_ =	shalt  }
0x44: {  	_ =	shalt  }
0x45: {  	_ =	shalt  }
0x46: {  	_ =	shalt  }
0x47: {  	_ =	shalt  }
0x48: {  	_ =	shalt  }
0x49: {  	_ =	shalt  }
0x4a: {  	_ =	shalt  }
0x4b: {  	_ =	shalt  }
0x4c: {  	_ =	shalt  }
0x4d: {  	_ =	shalt  }
0x4e: {  	_ =	shalt  }
0x4f: {  	_ =	shalt  }
0x50: {  	_ =	shalt  }
0x51: {  	_ =	shalt  }
0x52: {  	_ =	shalt  }
0x53: {  	_ =	shalt  }
0x54: {  	_ =	shalt  }
0x55: {  	_ =	shalt  }
0x56: {  	_ =	shalt  }
0x57: {  	_ =	shalt  }
0x58: {  	_ =	shalt  }
0x59: {  	_ =	shalt  }
0x5a: {  	_ =	shalt  }
0x5b: {  	_ =	shalt  }
0x5c: {  	_ =	shalt  }
0x5d: {  	_ =	shalt  }
0x5e: {  	_ =	shalt  }
0x5f: {  	_ =	shalt  }
0x60: {  	_ =	shalt  }
0x61: {  	_ =	shalt  }
0x62: {  	_ =	shalt  }
0x63: {  	_ =	shalt  }
0x64: {  	_ =	shalt  }
0x65: {  	_ =	shalt  }
0x66: {  	_ =	shalt  }
0x67: {  	_ =	shalt  }
0x68: {  	_ =	shalt  }
0x69: {  	_ =	shalt  }
0x6a: {  	_ =	shalt  }
0x6b: {  	_ =	shalt  }
0x6c: {  	_ =	shalt  }
0x6d: {  	_ =	shalt  }
0x6e: {  	_ =	shalt  }
0x6f: {  	_ =	shalt  }
0x70: {  	_ =	shalt  }
0x71: {  	_ =	shalt  }
0x72: {  	_ =	shalt  }
0x73: {  	_ =	shalt  }
0x74: {  	_ =	shalt  }
0x75: {  	_ =	shalt  }
0x76: {  	_ =	shalt  }
0x77: {  	_ =	shalt  }
0x78: {  	_ =	shalt  }
0x79: {  	_ =	shalt  }
0x7a: {  	_ =	shalt  }
0x7b: {  	_ =	shalt  }
0x7c: {  	_ =	shalt  }
0x7d: {  	_ =	shalt  }
0x7e: {  	_ =	shalt  }
0x7f: {  	_ =	shalt  }
0x80: {  	_ =	shalt  }
0x81: {  	_ =	shalt  }
0x82: {  	_ =	shalt  }
0x83: {  	_ =	shalt  }
0x84: {  	_ =	shalt  }
0x85: {  	_ =	shalt  }
0x86: {  	_ =	shalt  }
0x87: {  	_ =	shalt  }
.Lfunc_end0:
.L_simem_size_0:
called_computation_lowered:
.L_overlay_start_0:
0x88: {  	s2 =	sld [smem:$0x3FD9]  }
0x89: {  	s3 =	sld [smem:$0x3FFE];
	_ =	sdelay $0x1  }
0x8a: {  	s1 =	srdreg.scid  }
0x8b: {  	s0 =	sand.u32 $0x1, s1  }
0x8c: {  	s17 =	sshll.u32 s0, $0xA;
	s2 =	sadd.s32 s3, s2  }
0x8d: {  	s2 =	sadd.s32 s2, s17  }
0x8e: {  	[smem:$0x3FC2] =	sst s2  }
0x8f: {  	_ = 	snop  }
0x90: {  	s2 =	sld [smem:$0x3FC9]  }
0x91: {  	s18 =	sld [smem:$0x3FD0];
	(tm) =	ssettm $0x1  }
0x92: {  	s4 =	sld [smem:$0x3FFB];
	_ =	sdelay $0x3  }
0x93: {  	_ =	strace s4  }
0x94: {  	s4 =	sld [smem:$0x3FFC];
	_ =	sdelay $0x3  }
0x95: {  	_ =	strace s4  }
0x96: {  	s4 =	sld [smem:$0x3FFD];
	_ =	sdelay $0x3  }
0x97: {  	_ =	strace s4  }
0x98: {  	_ =	strace $0x8FFFFFFF  }
0x99: {  	s19 =	sld [smem:$0x3FDB];
	_ =	sdelay $0x1  }
0x9a: {  	s5 =	simm.s32 $_scs_section_size  }
0x9b: {  	s6 =	simm.s32 $_size__tile_overlayer_lowered;
	s7 =	simm.s32 $_tile_overlayer_lowered  }
0x9c: {  	s22 =	simm.s32 $0x1BFF;
	s21 =	sshll.u32 s7, $0x1;
	s4 =	sadd.s32 s5, s19  }
0x9d: {  	s8 =	simm.s32 $0x0;
	s20 =	sshll.u32 s6, $0x1;
	s6 =	sadd.s32 s21, s4  }
0x9e: {  	[timem:s8], [sflag:s22] =	dma.local [hbm:s6], s20  }
0x9f: {  	_ =	swait.ge [sflag:s22], s20  }
0xa0: {  	s5 =	ssub.s32 $0x0, s20;
	[sflag:s22] =	ssyncset.done $0x0  }
0xa1: {  	[sflag:s22] =	ssyncadd.s32 s5;
	_ =	sdelay $0x1  }
0xa2: {  	s23 =	simm.s32 $0x1B8B  }
0xa3: {  	_ =	swait.ge [sflag:s23], $0x1  }
0xa4: {  	[sflag:s23] =	ssyncset.done $0x0  }
0xa5: {  	s25 =	simm.s32 $0x1B8E;
	s24 =	sld [smem:$0x3FFE];
	[sflag:s23] =	ssyncadd.s32 $0xFFFFFFFF  }
0xa6: {  	s26 =	simm.s32 $execute0_lowered;
	[smem:$0x3FD2] =	sst s25  }
0xa7: {  	s6 =	sshll.u32 s26, $0x1;
	_ =	strace $0x80000046;
	[dreg:$0x1] =	wrdreg $0xFFFFFFFF  }
0xa8: {  	s28 =	simm.s32 $_size_execute0_lowered;
	s4 =	sadd.s32 s4, s6;
	[dreg:$0x0] =	wrdreg $0x0  }
0xa9: {  	s6 =	sshll.u32 s28, $0x1;
	[dreg:$0x2] =	wrdreg s4  }
0xaa: {  	[dreg:$0x3] =	wrdreg s6  }
0xab: {  	[dreg:$0x4] =	wrdreg $0xC0  }
0xac: {  	_ =	task [dreg:s8], $0x5FFFF  }
0xad: {  	[dreg:$0x1] =	wrdreg $0xFFFFFFFF  }
0xae: {  	[dreg:$0x0] =	wrdreg $0x60  }
0xaf: {  	[dreg:$0x2] =	wrdreg s24  }
0xb0: {  	[dreg:$0x3] =	wrdreg s18  }
0xb1: {  	[dreg:$0x4] =	wrdreg s2  }
0xb2: {  	[dreg:$0x5] =	wrdreg $0xB0000  }
0xb3: {  	[dreg:$0x6] =	wrdreg $0x9  }
0xb4: {  	_ =	task.clear_ibuf [dreg:s8], $0x7FFFF;
	_ =	strace $0x90000046  }
0xb5: {  	s29 =	simm.s32 $0x9;
	_ =	strace $0x80000048  }
0xb6: {  	_ =	swait.ge [sflag:s29], $0x1  }
0xb7: {  	[sflag:s29] =	ssyncadd.s32 $0xFFFFFFFF  }
0xb8: {  	_ =	strace $0x90000048  }
0xb9: {  	_ =	sfence  }
0xba: {  	s30 =	sld [smem:$0x0];
	_ =	sdelay $0x2  }
0xbb: {  	s31 =	sshll.u32 s1, $0xD;
	s1 =	sshrl.u32 s1, $0x2  }
0xbc: {  	s3 =	sand.u32 $0x4000, s31;
	s1 =	sadd.s32 s1, s30  }
0xbd: {  	s0 =	sor.u32 s3, s0;
	s1 =	sshll.u32 s1, $0x11  }
0xbe: {  	s0 =	sor.u32 s1, s0  }
0xbf: {  	s0 =	sadd.s32 $0x8F2B, s0  }
0xc0: {  	[sflag:s0] =	ssyncadd.remote.s32 $0x1  }
0xc1: {  	_ =	sfence.sel $0xFFFF  }
0xc2: {  	[dreg:$0x0] =	wrdreg $0xFFFFFFFF;
	(pc) =	sbr.abs _section_cstart, $3  }
0xc3: {  	[dreg:$0x1] =	wrdreg $0xFFFFFFFF  }
0xc4: {  	_ =	task.clear_ibuf [dreg:s8], $0x2FFFF;
	_ =	strace $0x9FFFFFFF  }
0xc5: {  	(tm) =	ssettm $0x7FFFFFFF  }
tec
execute0_lowered:
.L_overlay_start_1:
0x0: {  	(tag) =	ssettag $0x1  }
0x1: {  	s0 =	rddreg [dreg:$0x0];
	s1 =	srdreg.scid  }
0x2: {  	s13 =	stileid.u32;
	s3 =	rddreg [dreg:$0x1];
	s4 =	sand.u32 $0x1, s1  }
0x3: {  	s2 =	sshll.u32 s13, $0x1;
	s1 =	rddreg [dreg:$0x2];
	s8 =	sadd.s32 $0x1400, s0  }
0x4: {  	s9 =	smul.u32 $0x280, s13;
	s5 =	sor.u32 s4, s2;
	s2 =	simm.s32 $0x0  }
0x5: {  	s6 =	ssub.s32 $0x2, s4;
	p0 =	seq.s32 s4, $0x0;
	s5 =	smul.u32 $0x2710, s5  }
0x6: {  	s4 =	smul.u32 $0x2710, s4;
	[smem:$0x7FF] =	sst s2;
	s7 =	sshrl.u32 s6, $0x1  }
0x7: {  	s9 =	sadd.s32 $0x140, s9;
	s6 =	ssub.s32 s6, s7;
	s10 =	sshrl.u32 s5, $0x3  }
0x8: {  	s22 =	sadd.s32 $0x28, s5;
	s26 =	sadd.s32 $0x78, s5;
	s11 =	sadd.s32 s8, s10  }
0x9: {  	s7 =	sshrl.u32 s22, $0x3;
	s23 =	sadd.s32 s3, s10;
	[dreg:$0x5] =	wrdreg s11  }
0xa: {  	s16 =	sadd.s32 $0xC8, s5;
	[dreg:$0x6] =	wrdreg s23;
	s24 =	sadd.s32 s8, s7  }
0xb: {  	s25 =	sadd.s32 $0xA, s10;
	s7 =	sadd.s32 s3, s7;
	[dreg:$0x7] =	wrdreg s24  }
0xc: {  	s14 =	sshrl.u32 s26, $0x3;
	s12 =	sadd.s32 s8, s25;
	[dreg:$0x8] =	wrdreg s7  }
0xd: {  	s15 =	sadd.s32 $0x14, s10;
	s11 =	sadd.s32 s8, s14;
	[dreg:$0x9] =	wrdreg s12  }
0xe: {  	s18 =	sshrl.u32 s16, $0x3;
	s17 =	sadd.s32 s8, s15;
	[dreg:$0xb] =	wrdreg s11  }
0xf: {  	s10 =	sadd.s32 $0x1E, s10;
	s19 =	sadd.s32 s8, s18;
	[dreg:$0xd] =	wrdreg s17  }
0x10: {  	s5 =	sadd.s32 $0x118, s5;
	s20 =	sadd.s32 s8, s10;
	[dreg:$0xf] =	wrdreg s19  }
0x11: {  	s22 =	smul.u32 $0x4E20, s13;
	s21 =	sadd.s32 s3, s10;
	[dreg:$0x11] =	wrdreg s20  }
0x12: {  	s5 =	sshrl.u32 s5, $0x3;
	s7 =	sadd.s32 s3, s25;
	[dreg:$0x12] =	wrdreg s21  }
0x13: {  	s23 =	smul.u32 $0x2800, s13;
	[dreg:$0xa] =	wrdreg s7;
	s7 =	sadd.s32 s3, s14  }
0x14: {  	s26 =	sadd.s32 s8, s5;
	[dreg:$0xc] =	wrdreg s7;
	s7 =	sadd.s32 s3, s18  }
0x15: {  	s5 =	sadd.s32 s3, s5;
	[dreg:$0x10] =	wrdreg s7;
	s7 =	simm.s32 $0xB200  }
0x16: {  	s11 =	sadd.s32 s3, s15;
	[dreg:$0x15] =	wrdreg s26;
	s7 =	simm.s32 @!p0 $0x33200  }
0x17: {  	s4 =	sadd.s32 s4, s22;
	[dreg:$0x16] =	wrdreg s5;
	s0 =	sadd.s32 s7, s0  }
0x18: {  	s24 =	sshll.u32 s9, $0x4;
	[dreg:$0xe] =	wrdreg s11;
	s7 =	sadd.s32 s0, s23  }
0x19: {  	s25 =	sadd.s32 $0x140, s4;
	s0 =	sadd.s32 s0, s24;
	[dreg:$0x13] =	wrdreg s7  }
0x1a: {  	[dreg:$0x14] =	wrdreg s0;
	s0 =	sshrl.u32 s25, $0x3;
	s7 =	smul.u32 $0x50000, s13  }
0x1b: {  	s28 =	simm.s32 $0xF;
	s23 =	rddreg [dreg:$0x3];
	s3 =	sadd.s32 s0, s3  }
0x1c: {  	s0 =	sadd.s32 s0, s8;
	[dreg:$0x17] =	wrdreg s3;
	s10 =	sshrl.u32 s7, $0x2  }
0x1d: {  	s12 =	smax.u32 s6, $0x1;
	[dreg:$0x18] =	wrdreg s0;
	s25 =	sadd.s32 s10, s23  }
0x1e: {  	_ =	strace $0x80000047;
	[dreg:$0x19] =	wrdreg s12;
	s13 =	sadd.s32 $0x1400, s25  }
0x1f: {  	s29 =	simm.s32 $0x10;
	s14 =	sadd.s32 $0x2800, s25;
	[dreg:$0x1a] =	wrdreg s13  }
0x20: {  	s30 =	simm.s32 $0x9;
	s15 =	sadd.s32 $0x3C00, s25;
	[dreg:$0x1b] =	wrdreg s14  }
0x21: {  	s31 =	simm.s32 $0xA;
	s16 =	sadd.s32 $0x5000, s25;
	[dreg:$0x1c] =	wrdreg s15  }
0x22: {  	s11 =	sshll.u32 s9, $0x7;
	s17 =	sadd.s32 $0x6400, s25;
	[dreg:$0x1d] =	wrdreg s16  }
0x23: {  	s26 =	sadd.s32 s11, s23;
	s18 =	sadd.s32 $0x7800, s25;
	[dreg:$0x1e] =	wrdreg s17  }
0x24: {  	s0 =	simm.s32 $0x0;
	s19 =	sadd.s32 $0x8C00, s25;
	[dreg:$0x1f] =	wrdreg s18  }
0x25: {  	s20 =	sadd.s32 $0xB400, s25;
	s21 =	sadd.s32 $0xC800, s25;
	[smem:$0x7F9] =	sst s19  }
0x26: {  	s22 =	sadd.s32 $0xDC00, s25;
	s24 =	sadd.s32 $0xF000, s25;
	[smem:$0x7FA] =	sst s20  }
0x27: {  	s9 =	sadd.s32 $0x10400, s25;
	s10 =	sadd.s32 $0x11800, s25;
	[smem:$0x7FB] =	sst s21  }
.Ltmp0:
0x28: {  	s11 =	sadd.s32 $0x12C00, s25;
	[smem:$0x7FC] =	sst s22;
	(pc) =	sbr.rel .LBB2_1-.Ltmp0, $4  }
0x29: {  	[smem:$0x7FD] =	sst s24;
	s13 =	simm.s32 $0x100;
	s14 =	simm.s32 $0x180  }
0x2a: {  	s15 =	simm.s32 $0x9C00;
	s16 =	simm.s32 $0x1D;
	s17 =	simm.s32 $0x11  }
0x2b: {  	s18 =	simm.s32 $0x28;
	s19 =	simm.s32 $0x1000;
	s21 =	simm.s32 $0x12  }
0x2c: {  	v0 =	vimm.f32 $0.0e+00;
	s22 =	simm.s32 $0x13;
	s24 =	simm.s32 $0x14;
	s20 =	simm.s32 $0x1E  }
.LBB2_9:
0x2d: {  	_ =	swait.ge [sflag:s28], $0x1400  }
0x2e: {  	[sflag:s28] =	ssyncset.done $0x0  }
0x2f: {  	[sflag:s28] =	ssyncadd.s32 $0xFFFFEC00  }
0x30: {  	_ =	swait.ge [sflag:s29], $0x1400  }
0x31: {  	[sflag:s29] =	ssyncset.done $0x0  }
0x32: {  	[sflag:s29] =	ssyncadd.s32 $0xFFFFEC00  }
0x33: {  	_ =	swait.ge [sflag:s30], $0x1400  }
0x34: {  	[sflag:s30] =	ssyncset.done $0x0  }
0x35: {  	[sflag:s30] =	ssyncadd.s32 $0xFFFFEC00  }
0x36: {  	_ =	swait.ge [sflag:s31], $0x1400  }
0x37: {  	[sflag:s31] =	ssyncset.done $0x0  }
0x38: {  	[sflag:s31] =	ssyncadd.s32 $0xFFFFEC00  }
0x39: {  	[bflag:$0x0] =	sbarrier.arrive $0xFFFF  }
0x3a: {  	[tilespmem:s19], [sflag:$0x1E] =	stream.linear.gather [spmem:s25], $0xA000, $0x38;
	[tilespmem:$0x1F000] =	vst v63  }
0x3b: {  	_ =	swait.ge [sflag:s20], $0xA000  }
0x3c: {  	[sflag:s20] =	ssyncset.done $0x0  }
0x3d: {  	s3 =	rddreg [dreg:$0x13];
	[sflag:s20] =	ssyncadd.s32 $0xFFFF6000  }
0x3e: {  	[hbm4b:s3+s2] =	stream.linear.scatter [tilespmem:s19], [sflag:$0x1E], $0xA000, $0x38;
	[tilespmem:$0x1F000] =	vst v63  }
0x3f: {  	_ =	swait.ge [sflag:s20], $0xA000  }
0x40: {  	[sflag:s20] =	ssyncset.done $0x0  }
0x41: {  	[sflag:s20] =	ssyncadd.s32 $0xFFFF6000  }
0x42: {  	[tilespmem:s19], [sflag:$0x1E] =	stream.linear.gather [spmem:s26], $0xA000, $0x38;
	[tilespmem:$0x1F000] =	vst v63  }
0x43: {  	_ =	swait.ge [sflag:s20], $0xA000  }
0x44: {  	[sflag:s20] =	ssyncset.done $0x0  }
0x45: {  	s8 =	rddreg [dreg:$0x14];
	[sflag:s20] =	ssyncadd.s32 $0xFFFF6000  }
0x46: {  	[hbm4b:s8+s2] =	stream.linear.scatter [tilespmem:s19], [sflag:$0x1E], $0xA000, $0x38;
	[tilespmem:$0x1F000] =	vst v63  }
0x47: {  	_ =	swait.ge [sflag:s20], $0xA000  }
0x48: {  	s0 =	sadd.s32 $0x1, s0;
	s12 =	rddreg [dreg:$0x19]  }
0x49: {  	p0 =	sne.s32 s0, s12  }
.Ltmp1:
0x4a: {  	_ = 	snop;
	(pc) =	sbr.rel @!p0 .LBB2_10-.Ltmp1, $3  }
0x4b: {  	_ =	sdelay $0x1  }
0x4c: {  	[sflag:s20] =	ssyncset.done $0x0  }
0x4d: {  	[sflag:s20] =	ssyncadd.s32 $0xFFFF6000  }
.LBB2_1:
0x4e: {  	s3 =	sand.u32 $0x7E00, s2  }
0x4f: {  	s4 =	sand.u32 $0x70, s2;
	s5 =	sshrl.u32 s3, $0x2  }
0x50: {  	s3 =	simm.s32 $0x40;
	s5 =	sor.u32 s4, s5;
	s4 =	simm.s32 $0x0  }
.LBB2_2:
0x51: {  	p0 =	sne.s32 s3, $0x4FC0  }
0x52: {  	[tilespmem:s5+$0x9C00] =	vst v0;
	s4 =	sadd.s32 $0x10, s4;
	s5 =	smov.u32 s3;
	s3 =	sadd.s32 $0x40, s3  }
.Ltmp2:
0x53: {  	(pc) =	sbr.rel @p0 .LBB2_2-.Ltmp2, $4  }
0x54: {  	_ = 	snop  }
0x55: {  	s5 =	sand.u32 $0x7E00, s5  }
0x56: {  	s6 =	sand.u32 $0x70, s4;
	s5 =	sshrl.u32 s5, $0x2  }
0x57: {  	s5 =	sor.u32 s6, s5  }
0x58: {  	[tilespmem:s5+$0x9C00] =	vst v0;
	s3 =	simm.s32 $0x0;
	s4 =	rddreg [dreg:$0x5]  }
0x59: {  	[tilespmem:s3], [sflag:$0x11] =	stream.linear.gather [hbm4b:s4+s3], $0x28, $0x38;
	[tilespmem:$0x1F000] =	vst v63  }
0x5a: {  	s6 =	rddreg [dreg:$0x6];
	s7 =	simm.s32 $0x800  }
0x5b: {  	[tilespmem:s7], [sflag:$0x11] =	stream.linear.gather [hbm4b:s6+s3], $0x28, $0x38;
	[tilespmem:$0x1F000] =	vst v63  }
0x5c: {  	s8 =	rddreg [dreg:$0x7];
	s5 =	simm.s32 $0x80  }
0x5d: {  	[tilespmem:s5], [sflag:$0x12] =	stream.linear.gather [hbm4b:s8+s3], $0x28, $0x38;
	[tilespmem:$0x1F000] =	vst v63  }
0x5e: {  	s12 =	rddreg [dreg:$0x8];
	s6 =	simm.s32 $0x880  }
0x5f: {  	[tilespmem:s6], [sflag:$0x12] =	stream.linear.gather [hbm4b:s12+s3], $0x28, $0x38;
	[tilespmem:$0x1F000] =	vst v63  }
0x60: {  	s6 =	rddreg [dreg:$0x9]  }
0x61: {  	[tilespmem:s13], [sflag:$0x13] =	stream.linear.gather [hbm4b:s6+s3], $0x28, $0x38;
	[tilespmem:$0x1F000] =	vst v63  }
0x62: {  	s7 =	rddreg [dreg:$0xa];
	s8 =	simm.s32 $0x900  }
0x63: {  	[tilespmem:s8], [sflag:$0x13] =	stream.linear.gather [hbm4b:s7+s3], $0x28, $0x38;
	[tilespmem:$0x1F000] =	vst v63  }
0x64: {  	s12 =	rddreg [dreg:$0xb]  }
0x65: {  	[tilespmem:s14], [sflag:$0x14] =	stream.linear.gather [hbm4b:s12+s3], $0x28, $0x38;
	[tilespmem:$0x1F000] =	vst v63  }
0x66: {  	s6 =	rddreg [dreg:$0xc];
	s7 =	simm.s32 $0x980  }
0x67: {  	[tilespmem:s7], [sflag:$0x14] =	stream.linear.gather [hbm4b:s6+s3], $0x28, $0x38;
	[tilespmem:$0x1F000] =	vst v63  }
0x68: {  	s8 =	rddreg [dreg:$0xd];
	s12 =	simm.s32 $0x200  }
0x69: {  	[tilespmem:s12], [sflag:$0x15] =	stream.linear.gather [hbm4b:s8+s3], $0x28, $0x38;
	[tilespmem:$0x1F000] =	vst v63  }
0x6a: {  	s6 =	rddreg [dreg:$0xe];
	s7 =	simm.s32 $0xA00  }
0x6b: {  	[tilespmem:s7], [sflag:$0x15] =	stream.linear.gather [hbm4b:s6+s3], $0x28, $0x38;
	[tilespmem:$0x1F000] =	vst v63  }
0x6c: {  	s8 =	rddreg [dreg:$0xf];
	s12 =	simm.s32 $0x280  }
0x6d: {  	[tilespmem:s12], [sflag:$0x16] =	stream.linear.gather [hbm4b:s8+s3], $0x28, $0x38;
	[tilespmem:$0x1F000] =	vst v63  }
0x6e: {  	s6 =	rddreg [dreg:$0x10];
	s7 =	simm.s32 $0xA80  }
0x6f: {  	[tilespmem:s7], [sflag:$0x16] =	stream.linear.gather [hbm4b:s6+s3], $0x28, $0x38;
	[tilespmem:$0x1F000] =	vst v63  }
0x70: {  	s8 =	rddreg [dreg:$0x11];
	s12 =	simm.s32 $0x300  }
0x71: {  	[tilespmem:s12], [sflag:$0x17] =	stream.linear.gather [hbm4b:s8+s3], $0x28, $0x38;
	[tilespmem:$0x1F000] =	vst v63  }
0x72: {  	s6 =	rddreg [dreg:$0x12];
	s7 =	simm.s32 $0xB00  }
0x73: {  	[tilespmem:s7], [sflag:$0x17] =	stream.linear.gather [hbm4b:s6+s3], $0x28, $0x38;
	[tilespmem:$0x1F000] =	vst v63  }
0x74: {  	s8 =	rddreg [dreg:$0x15];
	s12 =	simm.s32 $0x380  }
0x75: {  	[tilespmem:s12], [sflag:$0x18] =	stream.linear.gather [hbm4b:s8+s3], $0x28, $0x38;
	[tilespmem:$0x1F000] =	vst v63  }
0x76: {  	s6 =	rddreg [dreg:$0x16];
	s7 =	simm.s32 $0xB80  }
0x77: {  	[tilespmem:s7], [sflag:$0x18] =	stream.linear.gather [hbm4b:s6+s3], $0x28, $0x38;
	[tilespmem:$0x1F000] =	vst v63  }
0x78: {  	_ = 	snop  }
0x79: {  	[spmem:s25] =	stream.linear.scatter [tilespmem:s15], [sflag:$0x1D], $0x1400, $0x38;
	[tilespmem:$0x1F000] =	vst v63  }
0x7a: {  	s8 =	rddreg [dreg:$0x1a]  }
0x7b: {  	[spmem:s8] =	stream.linear.scatter [tilespmem:s15], [sflag:$0x1D], $0x1400, $0x38;
	[tilespmem:$0x1F000] =	vst v63  }
0x7c: {  	s12 =	rddreg [dreg:$0x1b]  }
0x7d: {  	[spmem:s12] =	stream.linear.scatter [tilespmem:s15], [sflag:$0x1D], $0x1400, $0x38;
	[tilespmem:$0x1F000] =	vst v63  }
0x7e: {  	s6 =	rddreg [dreg:$0x1c]  }
0x7f: {  	[spmem:s6] =	stream.linear.scatter [tilespmem:s15], [sflag:$0x1D], $0x1400, $0x38;
	[tilespmem:$0x1F000] =	vst v63  }
0x80: {  	_ =	swait.ge [sflag:s16], $0x1400  }
0x81: {  	[sflag:s16] =	ssyncset.done $0x0  }
0x82: {  	[sflag:s16] =	ssyncadd.s32 $0xFFFFEC00  }
0x83: {  	_ =	swait.ge [sflag:s16], $0x1400  }
0x84: {  	[sflag:s16] =	ssyncset.done $0x0  }
0x85: {  	[sflag:s16] =	ssyncadd.s32 $0xFFFFEC00  }
0x86: {  	_ =	swait.ge [sflag:s16], $0x1400  }
0x87: {  	[sflag:s16] =	ssyncset.done $0x0  }
0x88: {  	[sflag:s16] =	ssyncadd.s32 $0xFFFFEC00  }
0x89: {  	_ =	swait.ge [sflag:s16], $0x1400  }
0x8a: {  	[sflag:s16] =	ssyncset.done $0x0;
	s7 =	rddreg [dreg:$0x1d]  }
0x8b: {  	s8 =	rddreg [dreg:$0x1e];
	[sflag:s16] =	ssyncadd.s32 $0xFFFFEC00  }
0x8c: {  	[spmem:s7] =	stream.linear.scatter [tilespmem:s15], [sflag:$0x1D], $0x1400, $0x38;
	[tilespmem:$0x1F000] =	vst v63  }
0x8d: {  	s12 =	rddreg [dreg:$0x1f]  }
0x8e: {  	[spmem:s8] =	stream.linear.scatter [tilespmem:s15], [sflag:$0x1D], $0x1400, $0x38;
	[tilespmem:$0x1F000] =	vst v63  }
0x8f: {  	s6 =	sld [smem:$0x7F9]  }
0x90: {  	[spmem:s12] =	stream.linear.scatter [tilespmem:s15], [sflag:$0x1D], $0x1400, $0x38;
	[tilespmem:$0x1F000] =	vst v63  }
0x91: {  	_ = 	snop  }
0x92: {  	[spmem:s6] =	stream.linear.scatter [tilespmem:s15], [sflag:$0x1D], $0x1400, $0x38;
	[tilespmem:$0x1F000] =	vst v63  }
0x93: {  	_ =	swait.ge [sflag:s16], $0x1400  }
0x94: {  	[sflag:s16] =	ssyncset.done $0x0  }
0x95: {  	[sflag:s16] =	ssyncadd.s32 $0xFFFFEC00  }
0x96: {  	_ =	swait.ge [sflag:s16], $0x1400  }
0x97: {  	[sflag:s16] =	ssyncset.done $0x0  }
0x98: {  	[sflag:s16] =	ssyncadd.s32 $0xFFFFEC00  }
0x99: {  	_ =	swait.ge [sflag:s16], $0x1400  }
0x9a: {  	[sflag:s16] =	ssyncset.done $0x0  }
0x9b: {  	[sflag:s16] =	ssyncadd.s32 $0xFFFFEC00  }
0x9c: {  	_ =	swait.ge [sflag:s16], $0x1400  }
0x9d: {  	[sflag:s16] =	ssyncset.done $0x0  }
0x9e: {  	s7 =	sld [smem:$0x7FA];
	[sflag:s16] =	ssyncadd.s32 $0xFFFFEC00  }
0x9f: {  	[spmem:s26] =	stream.linear.scatter [tilespmem:s15], [sflag:$0x1D], $0x1400, $0x38;
	[tilespmem:$0x1F000] =	vst v63  }
0xa0: {  	s8 =	sld [smem:$0x7FB]  }
0xa1: {  	[spmem:s7] =	stream.linear.scatter [tilespmem:s15], [sflag:$0x1D], $0x1400, $0x38;
	[tilespmem:$0x1F000] =	vst v63  }
0xa2: {  	s12 =	sld [smem:$0x7FC]  }
0xa3: {  	[spmem:s8] =	stream.linear.scatter [tilespmem:s15], [sflag:$0x1D], $0x1400, $0x38;
	[tilespmem:$0x1F000] =	vst v63  }
0xa4: {  	_ = 	snop  }
0xa5: {  	[spmem:s12] =	stream.linear.scatter [tilespmem:s15], [sflag:$0x1D], $0x1400, $0x38;
	[tilespmem:$0x1F000] =	vst v63  }
0xa6: {  	_ =	swait.ge [sflag:s16], $0x1400  }
0xa7: {  	[sflag:s16] =	ssyncset.done $0x0  }
0xa8: {  	[sflag:s16] =	ssyncadd.s32 $0xFFFFEC00  }
0xa9: {  	_ =	swait.ge [sflag:s16], $0x1400  }
0xaa: {  	[sflag:s16] =	ssyncset.done $0x0  }
0xab: {  	[sflag:s16] =	ssyncadd.s32 $0xFFFFEC00  }
0xac: {  	_ =	swait.ge [sflag:s16], $0x1400  }
0xad: {  	[sflag:s16] =	ssyncset.done $0x0  }
0xae: {  	[sflag:s16] =	ssyncadd.s32 $0xFFFFEC00  }
0xaf: {  	_ =	swait.ge [sflag:s16], $0x1400  }
0xb0: {  	s6 =	sld [smem:$0x7FD]  }
0xb1: {  	[sflag:s16] =	ssyncset.done $0x0  }
0xb2: {  	[sflag:s16] =	ssyncadd.s32 $0xFFFFEC00  }
0xb3: {  	[spmem:s6] =	stream.linear.scatter [tilespmem:s15], [sflag:$0x1D], $0x1400, $0x38;
	[tilespmem:$0x1F000] =	vst v63  }
0xb4: {  	_ = 	snop  }
0xb5: {  	[spmem:s9] =	stream.linear.scatter [tilespmem:s15], [sflag:$0x1D], $0x1400, $0x38;
	[tilespmem:$0x1F000] =	vst v63  }
0xb6: {  	_ = 	snop  }
0xb7: {  	[spmem:s10] =	stream.linear.scatter [tilespmem:s15], [sflag:$0x1D], $0x1400, $0x38;
	[tilespmem:$0x1F000] =	vst v63  }
0xb8: {  	_ = 	snop  }
0xb9: {  	[spmem:s11] =	stream.linear.scatter [tilespmem:s15], [sflag:$0x1D], $0x1400, $0x38;
	[tilespmem:$0x1F000] =	vst v63  }
0xba: {  	_ =	swait.ge [sflag:s16], $0x1400  }
0xbb: {  	[sflag:s16] =	ssyncset.done $0x0  }
0xbc: {  	[sflag:s16] =	ssyncadd.s32 $0xFFFFEC00  }
0xbd: {  	_ =	swait.ge [sflag:s16], $0x1400  }
0xbe: {  	[sflag:s16] =	ssyncset.done $0x0  }
0xbf: {  	[sflag:s16] =	ssyncadd.s32 $0xFFFFEC00  }
0xc0: {  	_ =	swait.ge [sflag:s16], $0x1400  }
0xc1: {  	[sflag:s16] =	ssyncset.done $0x0  }
0xc2: {  	[sflag:s16] =	ssyncadd.s32 $0xFFFFEC00  }
0xc3: {  	_ =	swait.ge [sflag:s16], $0x1400  }
0xc4: {  	[sflag:s16] =	ssyncset.done $0x0  }
0xc5: {  	[sflag:s16] =	ssyncadd.s32 $0xFFFFEC00  }
0xc6: {  	_ =	swait.ge [sflag:s17], $0x28  }
0xc7: {  	[sflag:s17] =	ssyncset.done $0x0  }
0xc8: {  	[sflag:s17] =	ssyncadd.s32 $0xFFFFFFD8  }
0xc9: {  	_ =	swait.ge [sflag:s17], $0x28  }
0xca: {  	[sflag:s17] =	ssyncset.done $0x0  }
0xcb: {  	[sflag:s17] =	ssyncadd.s32 $0xFFFFFFD8  }
0xcc: {  	[tilespmem:s19], [sflag:$0x1] =	stream.indirect.gather [hbm4b:s1+s18], $0x80, s3, s18, $0xb8;
	[tilespmem:$0x1F000] =	vst v63  }
0xcd: {  	_ =	swait.ge [sflag:s21], $0x28  }
0xce: {  	[sflag:s21] =	ssyncset.done $0x0  }
0xcf: {  	[sflag:s21] =	ssyncadd.s32 $0xFFFFFFD8  }
0xd0: {  	_ =	swait.ge [sflag:s21], $0x28  }
0xd1: {  	[sflag:s21] =	ssyncset.done $0x0  }
0xd2: {  	s7 =	simm.s32 $0x2400;
	[sflag:s21] =	ssyncadd.s32 $0xFFFFFFD8  }
0xd3: {  	[tilespmem:s7], [sflag:$0x2] =	stream.indirect.gather [hbm4b:s1+s18], $0x80, s5, s18, $0xb8;
	[tilespmem:$0x1F000] =	vst v63  }
0xd4: {  	_ =	swait.ge [sflag:s22], $0x28  }
0xd5: {  	[sflag:s22] =	ssyncset.done $0x0  }
0xd6: {  	[sflag:s22] =	ssyncadd.s32 $0xFFFFFFD8  }
0xd7: {  	_ =	swait.ge [sflag:s22], $0x28  }
0xd8: {  	[sflag:s22] =	ssyncset.done $0x0  }
0xd9: {  	s8 =	simm.s32 $0x3800;
	[sflag:s22] =	ssyncadd.s32 $0xFFFFFFD8  }
0xda: {  	[tilespmem:s8], [sflag:$0x3] =	stream.indirect.gather [hbm4b:s1+s18], $0x80, s13, s18, $0xb8;
	[tilespmem:$0x1F000] =	vst v63  }
0xdb: {  	_ =	swait.ge [sflag:s24], $0x28  }
0xdc: {  	[sflag:s24] =	ssyncset.done $0x0  }
0xdd: {  	[sflag:s24] =	ssyncadd.s32 $0xFFFFFFD8  }
0xde: {  	_ =	swait.ge [sflag:s24], $0x28  }
0xdf: {  	[sflag:s24] =	ssyncset.done $0x0  }
.Ltmp3:
0xe0: {  	s12 =	simm.s32 $0x4C00;
	[sflag:s24] =	ssyncadd.s32 $0xFFFFFFD8;
	(pc) =	sbr.rel .LBB2_4-.Ltmp3, $4  }
0xe1: {  	[tilespmem:s12], [sflag:$0x4] =	stream.indirect.gather [hbm4b:s1+s18], $0x80, s14, s18, $0xb8;
	[tilespmem:$0x1F000] =	vst v63  }
0xe2: {  	[bflag:$0x0] =	sbarrier.arrive $0xFFFF  }
0xe3: {  	s4 =	rddreg [dreg:$0x18]  }
0xe4: {  	s5 =	rddreg [dreg:$0x17]  }
.LBB2_5:
0xe5: {  	s6 =	sadd.s32 $0x8, s3  }
0xe6: {  	s7 =	smul.u32 $0xAB, s6;
	_ =	sdelay $0x1  }
0xe7: {  	s7 =	sshrl.u32 s7, $0xB  }
0xe8: {  	s7 =	sand.u32 $0x1F, s7  }
0xe9: {  	s7 =	smul.u32 $0xC, s7;
	_ =	sdelay $0x1  }
0xea: {  	s6 =	ssub.s32 s6, s7  }
0xeb: {  	s6 =	sand.u32 $0xFF, s6  }
0xec: {  	s12 =	sadd.s32 $0x11, s6;
	s6 =	sshll.u32 s6, $0x7  }
0xed: {  	[tilespmem:s6], [sflag:s12] =	stream.linear.gather [hbm4b:s4+s2], $0x28, $0x38;
	[tilespmem:$0x1F000] =	vst v63  }
0xee: {  	s6 =	sor.u32 $0x800, s6  }
0xef: {  	[tilespmem:s6], [sflag:s12] =	stream.linear.gather [hbm4b:s5+s2], $0x28, $0x38;
	[tilespmem:$0x1F000] =	vst v63  }
.LBB2_7:
0xf0: {  	s6 =	sadd.s32 $0x4, s3  }
0xf1: {  	s7 =	smul.u32 $0xAB, s6;
	_ =	sdelay $0x1  }
0xf2: {  	s7 =	sshrl.u32 s7, $0xB  }
0xf3: {  	s7 =	sand.u32 $0x1F, s7  }
0xf4: {  	s7 =	smul.u32 $0xC, s7;
	_ =	sdelay $0x1  }
0xf5: {  	s7 =	ssub.s32 s6, s7  }
0xf6: {  	s7 =	sand.u32 $0xFF, s7  }
0xf7: {  	s8 =	sadd.s32 $0x11, s7  }
0xf8: {  	_ =	swait.ge [sflag:s8], $0x28  }
0xf9: {  	s6 =	sand.u32 $0x7, s6;
	[sflag:s8] =	ssyncset.done $0x0  }
0xfa: {  	s12 =	smul.u32 $0x5000, s6;
	[sflag:s8] =	ssyncadd.s32 $0xFFFFFFD8  }
0xfb: {  	_ =	swait.ge [sflag:s8], $0x28  }
0xfc: {  	s6 =	sadd.s32 $0x1, s6;
	s12 =	sshrl.u32 s12, $0x2;
	[sflag:s8] =	ssyncset.done $0x0  }
0xfd: {  	s7 =	sshll.u32 s7, $0x7;
	[sflag:s8] =	ssyncadd.s32 $0xFFFFFFD8;
	s8 =	sadd.s32 $0x1000, s12  }
0xfe: {  	[tilespmem:s8], [sflag:s6] =	stream.indirect.gather [hbm4b:s1+s18], $0x80, s7, s18, $0xb8;
	[tilespmem:$0x1F000] =	vst v63  }
.LBB2_8:
0xff: {  	s3 =	sadd.s32 $0x1, s3  }
0x100: {  	p0 =	sne.s32 s3, $0xFA  }
.Ltmp4:
0x101: {  	_ = 	snop;
	(pc) =	sbr.rel @!p0 .LBB2_9-.Ltmp4, $2  }
0x102: {  	_ =	sdelay $0x2  }
0x103: {  	s5 =	sadd.s32 $0x5, s5;
	s4 =	sadd.s32 $0x5, s4  }
.LBB2_4:
0x104: {  	s6 =	smul.u32 $0xAB, s3;
	_ =	sdelay $0x1  }
0x105: {  	s6 =	sshrl.u32 s6, $0xB  }
0x106: {  	s6 =	sand.u32 $0x1F, s6  }
0x107: {  	s7 =	sand.u32 $0x7, s3;
	s6 =	smul.u32 $0xC, s6  }
0x108: {  	p0 =	slt.u32 s3, $0x4;
	s8 =	smul.u32 $0x5000, s7;
	s12 =	sadd.s32 $0x1, s7  }
0x109: {  	p1 =	sgt.u32 @!p0 s3, $0xF1;
	_ =	swait.ge [sflag:s12], $0x1400;
	s6 =	ssub.s32 s3, s6  }
0x10a: {  	p1 =	por p0, !p1;
	s8 =	sshrl.u32 s8, $0x2;
	s6 =	sand.u32 $0xEF, s6  }
0x10b: {  	[sflag:s12] =	ssyncset.done $0x0;
	s8 =	sadd.s32 $0x1000, s8;
	s6 =	sshll.u32 s6, $0x7  }
0x10c: {  	[sflag:s12] =	ssyncadd.s32 $0xFFFFEC00;
	s12 =	sadd.s32 $0x9, s7;
	s6 =	sor.u32 $0x800, s6  }
0x10d: {  	[spmem:s23] =	stream.indirect.scatter.add.f32 [tilespmem:s8], [sflag:s12], $0x80, s6, s18, $0xb8;
	[tilespmem:$0x1F000] =	vst v63  }
.Ltmp5:
0x10e: {  	s6 =	sxor.u32 @!p0 $0x4, s7;
	(pc) =	sbr.rel @p1 .LBB2_5-.Ltmp5, $4  }
0x10f: {  	s6 =	sadd.s32 @!p0 $0x9, s6  }
0x110: {  	_ =	swait.ge @!p0 [sflag:s6], $0x1400  }
0x111: {  	[sflag:s6] =	ssyncset.done @!p0 $0x0  }
0x112: {  	[sflag:s6] =	ssyncadd.s32 @!p0 $0xFFFFEC00  }
0x113: {  	p0 =	sgt.u32 s3, $0xF5  }
.Ltmp6:
0x114: {  	_ = 	snop;
	(pc) =	sbr.rel @p0 .LBB2_8-.Ltmp6, $4  }
.Ltmp7:
0x115: {  	_ = 	snop;
	(pc) =	sbr.rel @!p0 .LBB2_7-.Ltmp7, $4  }
0x116: {  	_ = 	snop  }
0x117: {  	_ = 	snop  }
0x118: {  	_ = 	snop  }
0x119: {  	_ = 	snop  }
.LBB2_10:
0x11a: {  	_ =	sfence.sel $0x180000  }
0x11b: {  	[bflag:$0x0] =	sbarrier.arrive $0xFFFF  }
0x11c: {  	_ =	strace $0x90000047  }
0x11d: {  	s0 =	stileid.u32;
	[bflag:$0x2] =	sbarrier.arrive $0xFFFF  }
0x11e: {  	p0 =	sne.s32 s0, $0x0;
	s0 =	rddreg [dreg:$0x4]  }
0x11f: {  	s0 =	sadd.s32 @!p0 $0x100000, s0  }
0x120: {  	[sflag:s0] =	ssyncadd.tile.s32 @!p0 $0x1;
	_ =	shalt  }
.Lfunc_end2:
_tile_overlayer_lowered:
.L_overlay_start_2:
0x121: {  	(tag) =	ssettag $0x2  }
0x122: {  	s0 =	rddreg [dreg:$0x0];
	s2 =	stileid.u32  }
0x123: {  	s1 =	rddreg [dreg:$0x1];
	p0 =	sne.s32 s2, $0x0  }
0x124: {  	s3 =	rddreg [dreg:$0x2];
	[bflag:$0x3] =	sbarrier.arrive $0xFFFF;
	s2 =	simm.s32 @!p0 $0x1C1E  }
0x125: {  	[timem:s3], [sflag:s2] =	dma.local @!p0 [hbm:s0], s1  }
0x126: {  	s0 =	simm.s32 @!p0 $0x1E  }
0x127: {  	_ =	swait.ge @!p0 [sflag:s0], s1  }
0x128: {  	s1 =	ssub.s32 @!p0 $0x0, s1;
	[sflag:s0] =	ssyncset.done @!p0 $0x0  }
0x129: {  	[sflag:s0] =	ssyncadd.s32 @!p0 s1  }
0x12a: {  	[bflag:$0x3] =	sbarrier.arrive $0xFFFF  }
0x12b: {  	_ =	shalt  }

</sc_bundles>
